<compile_context>
chip_gen: v7x
topology: tpu7x:2x2x1
jax: 0.10.2.dev20260603
libtpu: 0.0.44.dev20260713+nightly
codegen_flags: <defaults>
</compile_context>

<pallas_src>
import jax
import jax.numpy as jnp
from jax import lax
from jax.experimental import pallas as pl
from jax.experimental.pallas import tpu as pltpu
from jax.experimental.pallas import tpu_sc as plsc

N = 10000
E = 320000
D = 128
HID = 128
NTYPES = 3
NREL = 5
NTIME = 120

NC = 2
NS = 16
G = 32
BATCH = 128
NB = 158
EPAD = NB * BATCH * NS
HSPLIT_B = 101
NPAD = 10112
ROWS_PER_TILE = NPAD // NS
HCOLS = 64
HWORDS = N * HCOLS + 1024
HIST_PER_TILE = HWORDS // NS
TRASH = N * HCOLS


def _adapt_body(x_ref, t_ref, w_ref, h_ref):
    x = x_ref[...]
    h0 = jnp.dot(x, w_ref[0], preferred_element_type=jnp.float32)
    h1 = jnp.dot(x, w_ref[1], preferred_element_type=jnp.float32)
    h2 = jnp.dot(x, w_ref[2], preferred_element_type=jnp.float32)
    t = t_ref[...]
    h_ref[...] = jnp.where(t == 0, h0, jnp.where(t == 1, h1, h2))


def _adapt(node_feature, node_type, W_in):
    blk = 1000
    grid = N // blk
    return pl.pallas_call(
        _adapt_body,
        grid=(grid,),
        in_specs=[
            pl.BlockSpec((blk, D), lambda i: (i, 0)),
            pl.BlockSpec((blk, 1), lambda i: (i, 0)),
            pl.BlockSpec((NTYPES, D, HID), lambda i: (0, 0, 0)),
        ],
        out_specs=pl.BlockSpec((blk, HID), lambda i: (i, 0)),
        out_shape=jax.ShapeDtypeStruct((N, HID), jnp.float32),
    )(node_feature, node_type.reshape(N, 1), W_in)


def _sc_edge_body(h, srcp, megap, zrows, zflat,
                  agg_out, hist_out,
                  agg_sh, hist_sh,
                  src_b, mega_b, f12_b, ones_v,
                  d0, d1, d2, d3,
                  msg_a, msg_b,
                  sem_ld, sem_g, sem_s, sem_h):
    c = lax.axis_index("c")
    s = lax.axis_index("s")
    dbufs = (d0, d1, d2, d3)

    pltpu.sync_copy(zrows, agg_sh.at[pl.ds(s * ROWS_PER_TILE, ROWS_PER_TILE)])
    pltpu.sync_copy(zflat, hist_sh.at[pl.ds(s * HIST_PER_TILE, HIST_PER_TILE)])
    for k in range(BATCH // 16):
        ones_v[pl.ds(k * 16, 16)] = jnp.full((16,), 1.0, jnp.float32)
    plsc.subcore_barrier()

    lo = c * HCOLS
    tile_e = s * (NB * BATCH)

    def drain512(sem):
        pltpu.make_async_copy(zflat.at[pl.ds(0, 128)], ones_v, sem).wait()

    pltpu.async_copy(srcp.at[pl.ds(tile_e, BATCH)],
                     src_b.at[pl.ds(0, BATCH)], sem_ld)
    pltpu.async_copy(megap.at[pl.ds(tile_e, BATCH)],
                     mega_b.at[pl.ds(0, BATCH)], sem_ld)

    def sub_batch(b, half):
        off = pl.multiple_of(tile_e + b * BATCH, BATCH)

        drain512(sem_ld)
        drain512(sem_ld)

        nhalf = 1 - half

        @pl.when(b + 1 < NB)
        def _():
            noff = pl.multiple_of(off + BATCH, BATCH)
            pltpu.async_copy(srcp.at[pl.ds(noff, BATCH)],
                             src_b.at[pl.ds(nhalf * BATCH, BATCH)], sem_ld)
            pltpu.async_copy(megap.at[pl.ds(noff, BATCH)],
                             mega_b.at[pl.ds(nhalf * BATCH, BATCH)], sem_ld)

        @pl.when(b >= 2)
        def _():
            drain512(sem_h)

        @pl.when((b >= 2) & (c == 1))
        def _():
            drain512(sem_h)

        for g in range(BATCH // 16):
            sl = pl.ds(g * 16, 16)
            m = mega_b[pl.ds(half * BATCH + g * 16, 16)]
            d = m >> 10
            low = m & 1023
            t = low & 127
            e = low >> 7
            d64 = d * HCOLS
            own = (t >= lo) & (t < lo + HCOLS)
            f12_b[half * 2, sl] = jnp.where(own, d64 + (t - lo),
                                            TRASH + ((d64 + t) & 1023))
            f12_b[half * 2 + 1, sl] = d64 + ((NTIME - HCOLS) + e)
            dbufs[g // 2][pl.ds((g % 2) * 16, 16)] = d

        pltpu.async_copy(ones_v, hist_sh.at[f12_b.at[half * 2]], sem_h,
                         add=True)

        @pl.when(c == 1)
        def _():
            pltpu.async_copy(ones_v, hist_sh.at[f12_b.at[half * 2 + 1]],
                             sem_h, add=True)

        my = jnp.where(c == 0, b < HSPLIT_B, b >= HSPLIT_B)

        @pl.when(my)
        def _():
            hb = half * BATCH
            msgs = (msg_a, msg_b)
            nq = BATCH // G
            gs = [None] * nq
            ss = [None] * nq
            for q in range(2):
                gs[q] = pltpu.async_copy(
                    h.at[src_b.at[pl.ds(hb + q * G, G)]], msgs[q], sem_g)
            for q in range(nq):
                if q >= 2:
                    ss[q - 2].wait()
                    gs[q] = pltpu.async_copy(
                        h.at[src_b.at[pl.ds(hb + q * G, G)]], msgs[q % 2],
                        sem_g)
                gs[q].wait()
                ss[q] = pltpu.async_copy(msgs[q % 2],
                                         agg_sh.at[dbufs[q]],
                                         sem_s, add=True)
            for q in range(nq - 2, nq):
                ss[q].wait()

    def body(i, carry):
        sub_batch(2 * i, 0)
        sub_batch(2 * i + 1, 1)
        return carry

    lax.fori_loop(0, NB // 2, body, 0)

    drain512(sem_h)
    drain512(sem_h)

    @pl.when(c == 1)
    def _():
        drain512(sem_h)
        drain512(sem_h)

    plsc.subcore_barrier()

    pltpu.sync_copy(agg_sh.at[pl.ds(s * ROWS_PER_TILE, ROWS_PER_TILE)],
                    agg_out.at[c, pl.ds(s * ROWS_PER_TILE, ROWS_PER_TILE)])
    pltpu.sync_copy(hist_sh.at[pl.ds(s * HIST_PER_TILE, HIST_PER_TILE)],
                    hist_out.at[c, pl.ds(s * HIST_PER_TILE, HIST_PER_TILE)])


def _sc_edge(h, srcp, megap, zrows, zflat):
    mesh = plsc.VectorSubcoreMesh(core_axis_name="c", subcore_axis_name="s",
                                  num_cores=NC, num_subcores=NS)
    kern = pl.kernel(
        _sc_edge_body,
        out_type=[
            jax.ShapeDtypeStruct((NC, NPAD, HID), jnp.float32),
            jax.ShapeDtypeStruct((NC, HWORDS), jnp.float32),
        ],
        mesh=mesh,
        scratch_types=[
            pltpu.VMEM_SHARED((NPAD, HID), jnp.float32),
            pltpu.VMEM_SHARED((HWORDS,), jnp.float32),
            pltpu.VMEM((2 * BATCH,), jnp.int32),
            pltpu.VMEM((2 * BATCH,), jnp.int32),
            pltpu.VMEM((4, BATCH), jnp.int32),
            pltpu.VMEM((BATCH,), jnp.float32),
        ] + [pltpu.VMEM((G,), jnp.int32)] * 4 + [
            pltpu.VMEM((G, HID), jnp.float32),
            pltpu.VMEM((G, HID), jnp.float32),
            pltpu.SemaphoreType.DMA,
            pltpu.SemaphoreType.DMA,
            pltpu.SemaphoreType.DMA,
            pltpu.SemaphoreType.DMA,
        ],
    )
    return kern(h, srcp, megap, zrows, zflat)


def _final_body(ap_ref, hp_ref, h_ref, tab_ref, wo_ref,
                bo_ref, out_ref):
    hist = jnp.concatenate([hp_ref[0], hp_ref[1]], axis=1)
    agg = ap_ref[0] + ap_ref[1]
    agg = agg + jnp.dot(hist, tab_ref[...], preferred_element_type=jnp.float32)
    col = lax.broadcasted_iota(jnp.int32, hist.shape, 1)
    rel_mask = (col >= NTIME) & (col < NTIME + NREL)
    deg = jnp.sum(jnp.where(rel_mask, hist, 0.0), axis=1, keepdims=True)
    agg = agg / jnp.maximum(deg, 1.0)
    z = jnp.dot(agg, wo_ref[...], preferred_element_type=jnp.float32)
    out_ref[...] = jax.nn.gelu(z + bo_ref[...]) + h_ref[...]


def _final(agg_parts, hist_rows, h, table, W_out, b_out):
    blk = 1000
    grid = N // blk
    return pl.pallas_call(
        _final_body,
        grid=(grid,),
        in_specs=[
            pl.BlockSpec((NC, blk, HID), lambda i: (0, i, 0)),
            pl.BlockSpec((NC, blk, HCOLS), lambda i: (0, i, 0)),
            pl.BlockSpec((blk, HID), lambda i: (i, 0)),
            pl.BlockSpec((HID, HID), lambda i: (0, 0)),
            pl.BlockSpec((HID, HID), lambda i: (0, 0)),
            pl.BlockSpec((1, HID), lambda i: (0, 0)),
        ],
        out_specs=pl.BlockSpec((blk, HID), lambda i: (i, 0)),
        out_shape=jax.ShapeDtypeStruct((N, HID), jnp.float32),
    )(agg_parts, hist_rows, h, table, W_out, b_out)


def kernel(node_feature, node_type, edge_time, edge_index, edge_type,
           W_in, rel_emb, time_emb, W_out, b_out):
    h = _adapt(node_feature, node_type.astype(jnp.int32), W_in)

    npad = EPAD - E
    src = jnp.concatenate([edge_index[0], jnp.zeros((npad,), jnp.int32)])
    mega = edge_index[1] * 1024 + edge_type * 128 + edge_time
    megap = jnp.concatenate([mega, jnp.full((npad,), N * 1024, jnp.int32)])
    zrows = jnp.zeros((ROWS_PER_TILE, HID), jnp.float32)
    zflat = jnp.zeros((HIST_PER_TILE,), jnp.float32)

    agg_parts, hist_parts = _sc_edge(h, src, megap, zrows, zflat)

    hist_rows = hist_parts.reshape(NC, HWORDS // HCOLS, HCOLS)

    table = jnp.concatenate(
        [time_emb, rel_emb, jnp.zeros((128 - NTIME - NREL, HID), jnp.float32)],
        axis=0)
    return _final(agg_parts, hist_rows, h, table, W_out, b_out.reshape(1, HID))

# --- scband reference (transcript-rebuilt; emitter-appended) ---
"""Pipeline reference for scband-gpt-gnn-42880953483449 (READ-ONLY COPY).

The authoritative reference and input builder live on the scoring server;
editing this copy changes nothing except your own understanding.
"""

import jax, jax.numpy as jnp
import numpy as np

N = 10000   # n_nodes
E = 320000  # n_edges
D = 128     # in_dim
H = 128     # n_hid
T = 3       # num node types
R = 5       # num relation types
TB = 120    # temporal table size


def setup_inputs(seed: int = 0) -> dict:
    key = jax.random.key(seed)
    ks = jax.random.split(key, 10)
    node_feature = jax.random.normal(ks[0], (N, D), dtype=jnp.float32)
    node_type = jax.random.randint(ks[1], (N,), 0, T)
    edge_time = jax.random.randint(ks[2], (E,), 0, TB)
    edge_index = jax.random.randint(ks[3], (2, E), 0, N)
    edge_type = jax.random.randint(ks[4], (E,), 0, R)
    # learned parameters of the (representative) heterogeneous GNN inside GPT_GNN
    W_in = jax.random.normal(ks[5], (T, D, H), dtype=jnp.float32) / np.sqrt(D)
    rel_emb = jax.random.normal(ks[6], (R, H), dtype=jnp.float32) * 0.02
    time_emb = jax.random.normal(ks[7], (TB, H), dtype=jnp.float32) * 0.02
    W_out = jax.random.normal(ks[8], (H, H), dtype=jnp.float32) / np.sqrt(H)
    b_out = jnp.zeros((H,), dtype=jnp.float32)
    return {
        "node_feature": node_feature,
        "node_type": node_type,
        "edge_time": edge_time,
        "edge_index": edge_index,
        "edge_type": edge_type,
        "W_in": W_in,
        "rel_emb": rel_emb,
        "time_emb": time_emb,
        "W_out": W_out,
        "b_out": b_out,
    }


def reference(node_feature, node_type, edge_time, edge_index, edge_type,
              W_in, rel_emb, time_emb, W_out, b_out):
    # GPT_GNN.forward delegates to self.gnn(node_feature, node_type, edge_time,
    # edge_index, edge_type). Representative single heterogeneous message-passing
    # layer (HGT-style): type-conditioned input adaptation (embedding-style
    # gather of per-type transforms), relation- and time-embedding lookups per
    # edge, gather from source nodes, scatter-add (mean) into target nodes.
    # per-type adapted features; select each node's transform by node_type
    all_h = jnp.einsum('nd,tdh->tnh', node_feature, W_in)        # [T, N, H]
    h = jnp.take_along_axis(all_h, node_type[None, :, None], axis=0)[0]  # [N, H]
    src = edge_index[0]
    dst = edge_index[1]
    # gathers: source node states + relation embedding + temporal embedding
    msg = h[src] + jnp.take(rel_emb, edge_type, axis=0) + jnp.take(time_emb, edge_time, axis=0)  # [E, H]
    # scatter-add aggregation to destination nodes, then mean-normalize
    agg = jax.ops.segment_sum(msg, dst, num_segments=N)          # [N, H]
    deg = jax.ops.segment_sum(jnp.ones((E,), jnp.float32), dst, num_segments=N)
    agg = agg / jnp.maximum(deg, 1.0)[:, None]
    out = jax.nn.gelu(agg @ W_out + b_out) + h                   # residual
    return out

if __name__ == "__main__":
    import jax
    _d = setup_inputs()
    print(jax.jit(kernel)(*tuple(_d.values())))

</pallas_src>

<mosaic_0001>
#map = affine_map<(d0, d1) -> (0, 0)>
#map1 = affine_map<(d0, d1) -> (0)>
#map2 = affine_map<(d0, d1) -> (0, 0, 0)>
module attributes {stable_mosaic.version = 14 : i64} {
  func.func @_sc_edge_body(%arg0: i32, %arg1: i32, %arg2: memref<10000x128xf32, #tpu.memory_space<hbm>>, %arg3: memref<323584xi32, #tpu.memory_space<hbm>>, %arg4: memref<323584xi32, #tpu.memory_space<hbm>>, %arg5: memref<632x128xf32, #tpu.memory_space<hbm>>, %arg6: memref<40064xf32, #tpu.memory_space<hbm>>, %arg7: memref<2x10112x128xf32, #tpu.memory_space<hbm>>, %arg8: memref<2x641024xf32, #tpu.memory_space<hbm>>, %arg9: memref<10112x128xf32, #tpu.memory_space<vmem_shared>>, %arg10: memref<641024xf32, #tpu.memory_space<vmem_shared>>, %arg11: memref<256xi32, #tpu.memory_space<vmem>>, %arg12: memref<256xi32, #tpu.memory_space<vmem>>, %arg13: memref<4x128xi32, #tpu.memory_space<vmem>>, %arg14: memref<128xf32, #tpu.memory_space<vmem>>, %arg15: memref<32xi32, #tpu.memory_space<vmem>>, %arg16: memref<32xi32, #tpu.memory_space<vmem>>, %arg17: memref<32xi32, #tpu.memory_space<vmem>>, %arg18: memref<32xi32, #tpu.memory_space<vmem>>, %arg19: memref<32x128xf32, #tpu.memory_space<vmem>>, %arg20: memref<32x128xf32, #tpu.memory_space<vmem>>, %arg21: memref<!tpu.dma_semaphore, #tpu.memory_space<semaphore_mem>>, %arg22: memref<!tpu.dma_semaphore, #tpu.memory_space<semaphore_mem>>, %arg23: memref<!tpu.dma_semaphore, #tpu.memory_space<semaphore_mem>>, %arg24: memref<!tpu.dma_semaphore, #tpu.memory_space<semaphore_mem>>) attributes {dimension_semantics = [#tpu.dimension_semantics<core_parallel>, #tpu.dimension_semantics<subcore_parallel>], iteration_bounds = array<i64: 2, 16>, scalar_prefetch = 0 : i64, scratch_operands = 16 : i64, tpu.core_type = #tpu.core_type<sc_vector_subcore>, window_params = [{transform_indices = #map}, {transform_indices = #map1}, {transform_indices = #map1}, {transform_indices = #map}, {transform_indices = #map1}, {transform_indices = #map2}, {transform_indices = #map}]} {
    %mul3A = arith.constant 632 : i32
    %mul3A_0 = arith.muli %arg1, %mul3A : i32
    "tpu.region"() ({
      %run_scoped3A = tpu.sem_alloc : memref<!tpu.dma_semaphore, #tpu.memory_space<semaphore_mem>>
      %dma_start3A_87 = arith.constant 0 : i32
      %dma_start3A_88 = tpu.memref_slice %arg9[%mul3A_0, %dma_start3A_87] : memref<10112x128xf32, #tpu.memory_space<vmem_shared>> -> memref<632x128xf32, #tpu.memory_space<vmem_shared>>
      tpu.enqueue_dma source(%arg5 : memref<632x128xf32, #tpu.memory_space<hbm>>) target(%dma_start3A_88 : memref<632x128xf32, #tpu.memory_space<vmem_shared>>) target_semaphore(%run_scoped3A : memref<!tpu.dma_semaphore, #tpu.memory_space<semaphore_mem>>)
      %dma_wait3A_89 = arith.constant 0 : i32
      %dma_wait3A_90 = tpu.memref_slice %arg9[%mul3A_0, %dma_wait3A_89] : memref<10112x128xf32, #tpu.memory_space<vmem_shared>> -> memref<632x128xf32, #tpu.memory_space<vmem_shared>>
      tpu.wait_dma2 semaphore(%run_scoped3A : memref<!tpu.dma_semaphore, #tpu.memory_space<semaphore_mem>>) src(%arg5 : memref<632x128xf32, #tpu.memory_space<hbm>>) dst(%dma_wait3A_90 : memref<632x128xf32, #tpu.memory_space<vmem_shared>>)
      tpu.yield
    }) : () -> ()
    %mul3A_1 = arith.constant 40064 : i32
    %mul3A_2 = arith.muli %arg1, %mul3A_1 : i32
    "tpu.region"() ({
      %run_scoped3A = tpu.sem_alloc : memref<!tpu.dma_semaphore, #tpu.memory_space<semaphore_mem>>
      %dma_start3A_87 = tpu.memref_slice %arg10[%mul3A_2] : memref<641024xf32, #tpu.memory_space<vmem_shared>> -> memref<40064xf32, #tpu.memory_space<vmem_shared>>
      tpu.enqueue_dma source(%arg6 : memref<40064xf32, #tpu.memory_space<hbm>>) target(%dma_start3A_87 : memref<40064xf32, #tpu.memory_space<vmem_shared>>) target_semaphore(%run_scoped3A : memref<!tpu.dma_semaphore, #tpu.memory_space<semaphore_mem>>)
      %dma_wait3A_88 = tpu.memref_slice %arg10[%mul3A_2] : memref<641024xf32, #tpu.memory_space<vmem_shared>> -> memref<40064xf32, #tpu.memory_space<vmem_shared>>
      tpu.wait_dma2 semaphore(%run_scoped3A : memref<!tpu.dma_semaphore, #tpu.memory_space<semaphore_mem>>) src(%arg6 : memref<40064xf32, #tpu.memory_space<hbm>>) dst(%dma_wait3A_88 : memref<40064xf32, #tpu.memory_space<vmem_shared>>)
      tpu.yield
    }) : () -> ()
    %broadcast_in_dim3A = arith.constant 1.000000e+00 : f32
    %broadcast_in_dim3A_3 = vector.broadcast %broadcast_in_dim3A : f32 to vector<16xf32>
    %swap3A = arith.constant 0 : index
    %swap3A_4 = tpu.vector_load %arg14[%swap3A] {strides = array<i32>} : memref<128xf32, #tpu.memory_space<vmem>>, vector<16xf32>,
    %swap3A_5 = vector.shape_cast %swap3A_4 : vector<16xf32> to vector<16xf32>
    %swap3A_6 = vector.shape_cast %broadcast_in_dim3A_3 : vector<16xf32> to vector<16xf32>
    tpu.vector_store %arg14[%swap3A], %swap3A_6 {strides = array<i32>} : memref<128xf32, #tpu.memory_space<vmem>>, vector<16xf32>,
    %broadcast_in_dim3A_7 = arith.constant 1.000000e+00 : f32
    %broadcast_in_dim3A_8 = vector.broadcast %broadcast_in_dim3A_7 : f32 to vector<16xf32>
    %swap3A_9 = arith.constant 16 : index
    %swap3A_10 = tpu.vector_load %arg14[%swap3A_9] {strides = array<i32>} : memref<128xf32, #tpu.memory_space<vmem>>, vector<16xf32>,
    %swap3A_11 = vector.shape_cast %swap3A_10 : vector<16xf32> to vector<16xf32>
    %swap3A_12 = vector.shape_cast %broadcast_in_dim3A_8 : vector<16xf32> to vector<16xf32>
    tpu.vector_store %arg14[%swap3A_9], %swap3A_12 {strides = array<i32>} : memref<128xf32, #tpu.memory_space<vmem>>, vector<16xf32>,
    %broadcast_in_dim3A_13 = arith.constant 1.000000e+00 : f32
    %broadcast_in_dim3A_14 = vector.broadcast %broadcast_in_dim3A_13 : f32 to vector<16xf32>
    %swap3A_15 = arith.constant 32 : index
    %swap3A_16 = tpu.vector_load %arg14[%swap3A_15] {strides = array<i32>} : memref<128xf32, #tpu.memory_space<vmem>>, vector<16xf32>,
    %swap3A_17 = vector.shape_cast %swap3A_16 : vector<16xf32> to vector<16xf32>
    %swap3A_18 = vector.shape_cast %broadcast_in_dim3A_14 : vector<16xf32> to vector<16xf32>
    tpu.vector_store %arg14[%swap3A_15], %swap3A_18 {strides = array<i32>} : memref<128xf32, #tpu.memory_space<vmem>>, vector<16xf32>,
    %broadcast_in_dim3A_19 = arith.constant 1.000000e+00 : f32
    %broadcast_in_dim3A_20 = vector.broadcast %broadcast_in_dim3A_19 : f32 to vector<16xf32>
    %swap3A_21 = arith.constant 48 : index
    %swap3A_22 = tpu.vector_load %arg14[%swap3A_21] {strides = array<i32>} : memref<128xf32, #tpu.memory_space<vmem>>, vector<16xf32>,
    %swap3A_23 = vector.shape_cast %swap3A_22 : vector<16xf32> to vector<16xf32>
    %swap3A_24 = vector.shape_cast %broadcast_in_dim3A_20 : vector<16xf32> to vector<16xf32>
    tpu.vector_store %arg14[%swap3A_21], %swap3A_24 {strides = array<i32>} : memref<128xf32, #tpu.memory_space<vmem>>, vector<16xf32>,
    %broadcast_in_dim3A_25 = arith.constant 1.000000e+00 : f32
    %broadcast_in_dim3A_26 = vector.broadcast %broadcast_in_dim3A_25 : f32 to vector<16xf32>
    %swap3A_27 = arith.constant 64 : index
    %swap3A_28 = tpu.vector_load %arg14[%swap3A_27] {strides = array<i32>} : memref<128xf32, #tpu.memory_space<vmem>>, vector<16xf32>,
    %swap3A_29 = vector.shape_cast %swap3A_28 : vector<16xf32> to vector<16xf32>
    %swap3A_30 = vector.shape_cast %broadcast_in_dim3A_26 : vector<16xf32> to vector<16xf32>
    tpu.vector_store %arg14[%swap3A_27], %swap3A_30 {strides = array<i32>} : memref<128xf32, #tpu.memory_space<vmem>>, vector<16xf32>,
    %broadcast_in_dim3A_31 = arith.constant 1.000000e+00 : f32
    %broadcast_in_dim3A_32 = vector.broadcast %broadcast_in_dim3A_31 : f32 to vector<16xf32>
    %swap3A_33 = arith.constant 80 : index
    %swap3A_34 = tpu.vector_load %arg14[%swap3A_33] {strides = array<i32>} : memref<128xf32, #tpu.memory_space<vmem>>, vector<16xf32>,
    %swap3A_35 = vector.shape_cast %swap3A_34 : vector<16xf32> to vector<16xf32>
    %swap3A_36 = vector.shape_cast %broadcast_in_dim3A_32 : vector<16xf32> to vector<16xf32>
    tpu.vector_store %arg14[%swap3A_33], %swap3A_36 {strides = array<i32>} : memref<128xf32, #tpu.memory_space<vmem>>, vector<16xf32>,
    %broadcast_in_dim3A_37 = arith.constant 1.000000e+00 : f32
    %broadcast_in_dim3A_38 = vector.broadcast %broadcast_in_dim3A_37 : f32 to vector<16xf32>
    %swap3A_39 = arith.constant 96 : index
    %swap3A_40 = tpu.vector_load %arg14[%swap3A_39] {strides = array<i32>} : memref<128xf32, #tpu.memory_space<vmem>>, vector<16xf32>,
    %swap3A_41 = vector.shape_cast %swap3A_40 : vector<16xf32> to vector<16xf32>
    %swap3A_42 = vector.shape_cast %broadcast_in_dim3A_38 : vector<16xf32> to vector<16xf32>
    tpu.vector_store %arg14[%swap3A_39], %swap3A_42 {strides = array<i32>} : memref<128xf32, #tpu.memory_space<vmem>>, vector<16xf32>,
    %broadcast_in_dim3A_43 = arith.constant 1.000000e+00 : f32
    %broadcast_in_dim3A_44 = vector.broadcast %broadcast_in_dim3A_43 : f32 to vector<16xf32>
    %swap3A_45 = arith.constant 112 : index
    %swap3A_46 = tpu.vector_load %arg14[%swap3A_45] {strides = array<i32>} : memref<128xf32, #tpu.memory_space<vmem>>, vector<16xf32>,
    %swap3A_47 = vector.shape_cast %swap3A_46 : vector<16xf32> to vector<16xf32>
    %swap3A_48 = vector.shape_cast %broadcast_in_dim3A_44 : vector<16xf32> to vector<16xf32>
    tpu.vector_store %arg14[%swap3A_45], %swap3A_48 {strides = array<i32>} : memref<128xf32, #tpu.memory_space<vmem>>, vector<16xf32>,
    %barrier3A = arith.constant 0 : index
    tpu.barrier barrier_id(%barrier3A)
    %mul3A_49 = arith.constant 64 : i32
    %mul3A_50 = arith.muli %arg0, %mul3A_49 : i32
    %mul3A_51 = arith.constant 20224 : i32
    %mul3A_52 = arith.muli %arg1, %mul3A_51 : i32
    %dma_start3A = arith.constant 0 : i32
    %dma_start3A_53 = tpu.memref_slice %arg11[%dma_start3A] : memref<256xi32, #tpu.memory_space<vmem>> -> memref<128xi32, #tpu.memory_space<vmem>>
    %dma_start3A_54 = tpu.memref_slice %arg3[%mul3A_52] : memref<323584xi32, #tpu.memory_space<hbm>> -> memref<128xi32, #tpu.memory_space<hbm>>
    %dma_start3A_55 = arith.constant 0 : i32
    %dma_start3A_56 = tpu.memref_slice %arg11[%dma_start3A_55] : memref<256xi32, #tpu.memory_space<vmem>> -> memref<128xi32, #tpu.memory_space<vmem>>
    %dma_start3A_57 = tpu.memref_slice %arg3[%mul3A_52] : memref<323584xi32, #tpu.memory_space<hbm>> -> memref<128xi32, #tpu.memory_space<hbm>>
    tpu.enqueue_dma source(%dma_start3A_57 : memref<128xi32, #tpu.memory_space<hbm>>) target(%dma_start3A_56 : memref<128xi32, #tpu.memory_space<vmem>>) target_semaphore(%arg21 : memref<!tpu.dma_semaphore, #tpu.memory_space<semaphore_mem>>)
    %dma_start3A_58 = arith.constant 0 : i32
    %dma_start3A_59 = tpu.memref_slice %arg12[%dma_start3A_58] : memref<256xi32, #tpu.memory_space<vmem>> -> memref<128xi32, #tpu.memory_space<vmem>>
    %dma_start3A_60 = tpu.memref_slice %arg4[%mul3A_52] : memref<323584xi32, #tpu.memory_space<hbm>> -> memref<128xi32, #tpu.memory_space<hbm>>
    %dma_start3A_61 = arith.constant 0 : i32
    %dma_start3A_62 = tpu.memref_slice %arg12[%dma_start3A_61] : memref<256xi32, #tpu.memory_space<vmem>> -> memref<128xi32, #tpu.memory_space<vmem>>
    %dma_start3A_63 = tpu.memref_slice %arg4[%mul3A_52] : memref<323584xi32, #tpu.memory_space<hbm>> -> memref<128xi32, #tpu.memory_space<hbm>>
    tpu.enqueue_dma source(%dma_start3A_63 : memref<128xi32, #tpu.memory_space<hbm>>) target(%dma_start3A_62 : memref<128xi32, #tpu.memory_space<vmem>>) target_semaphore(%arg21 : memref<!tpu.dma_semaphore, #tpu.memory_space<semaphore_mem>>)
    %scan3A = arith.constant 0 : i32
    %scan3A_64 = arith.constant 0 : i32
    %scan3A_65 = arith.constant 79 : i32
    %scan3A_66 = arith.addi %scan3A_64, %scan3A_65 : i32
    %scan3A_67 = arith.constant 1 : i32
    scf.for %scan3A_87 = %scan3A_64 to %scan3A_66 step %scan3A_67  : i32 {
      %mul3A_88 = arith.constant 2 : i32
      %mul3A_89 = arith.muli %mul3A_88, %scan3A_87 : i32
      %mul3A_90 = arith.constant 128 : i32
      %mul3A_91 = arith.muli %mul3A_89, %mul3A_90 : i32
      %add3A = arith.addi %mul3A_52, %mul3A_91 : i32
      %multiple_of3A = tpu.assume_multiple %add3A, 128 : i32
      %dma_wait3A_92 = arith.constant 0 : i32
      %dma_wait3A_93 = tpu.memref_slice %arg6[%dma_wait3A_92] : memref<40064xf32, #tpu.memory_space<hbm>> -> memref<128xf32, #tpu.memory_space<hbm>>
      %dma_wait3A_94 = arith.constant 0 : i32
      %dma_wait3A_95 = tpu.memref_slice %arg6[%dma_wait3A_94] : memref<40064xf32, #tpu.memory_space<hbm>> -> memref<128xf32, #tpu.memory_space<hbm>>
      tpu.wait_dma2 semaphore(%arg21 : memref<!tpu.dma_semaphore, #tpu.memory_space<semaphore_mem>>) src(%dma_wait3A_95 : memref<128xf32, #tpu.memory_space<hbm>>) dst(%arg14 : memref<128xf32, #tpu.memory_space<vmem>>)
      %dma_wait3A_96 = arith.constant 0 : i32
      %dma_wait3A_97 = tpu.memref_slice %arg6[%dma_wait3A_96] : memref<40064xf32, #tpu.memory_space<hbm>> -> memref<128xf32, #tpu.memory_space<hbm>>
      %dma_wait3A_98 = arith.constant 0 : i32
      %dma_wait3A_99 = tpu.memref_slice %arg6[%dma_wait3A_98] : memref<40064xf32, #tpu.memory_space<hbm>> -> memref<128xf32, #tpu.memory_space<hbm>>
      tpu.wait_dma2 semaphore(%arg21 : memref<!tpu.dma_semaphore, #tpu.memory_space<semaphore_mem>>) src(%dma_wait3A_99 : memref<128xf32, #tpu.memory_space<hbm>>) dst(%arg14 : memref<128xf32, #tpu.memory_space<vmem>>)
      %add3A_100 = arith.constant 1 : i32
      %add3A_101 = arith.addi %mul3A_89, %add3A_100 : i32
      %lt3A = arith.constant 158 : i32
      %lt3A_102 = arith.cmpi slt, %add3A_101, %lt3A : i32
      %convert_element_type3A_103 = arith.extui %lt3A_102 : i1 to i32
      %cond3A_104 = arith.constant 0 : i32
      %cond3A_105 = arith.cmpi ne, %convert_element_type3A_103, %cond3A_104 : i32
      scf.if %cond3A_105 {
        %add3A_1087 = arith.constant 128 : i32
        %add3A_1088 = arith.addi %multiple_of3A, %add3A_1087 : i32
        %multiple_of3A_1089 = tpu.assume_multiple %add3A_1088, 128 : i32
        %dma_start3A_1090 = arith.constant 128 : i32
        %dma_start3A_1091 = tpu.memref_slice %arg11[%dma_start3A_1090] : memref<256xi32, #tpu.memory_space<vmem>> -> memref<128xi32, #tpu.memory_space<vmem>>
        %dma_start3A_1092 = tpu.memref_slice %arg3[%multiple_of3A_1089] : memref<323584xi32, #tpu.memory_space<hbm>> -> memref<128xi32, #tpu.memory_space<hbm>>
        %dma_start3A_1093 = arith.constant 128 : i32
        %dma_start3A_1094 = tpu.memref_slice %arg11[%dma_start3A_1093] : memref<256xi32, #tpu.memory_space<vmem>> -> memref<128xi32, #tpu.memory_space<vmem>>
        %dma_start3A_1095 = tpu.memref_slice %arg3[%multiple_of3A_1089] : memref<323584xi32, #tpu.memory_space<hbm>> -> memref<128xi32, #tpu.memory_space<hbm>>
        tpu.enqueue_dma source(%dma_start3A_1095 : memref<128xi32, #tpu.memory_space<hbm>>) target(%dma_start3A_1094 : memref<128xi32, #tpu.memory_space<vmem>>) target_semaphore(%arg21 : memref<!tpu.dma_semaphore, #tpu.memory_space<semaphore_mem>>)
        %dma_start3A_1096 = arith.constant 128 : i32
        %dma_start3A_1097 = tpu.memref_slice %arg12[%dma_start3A_1096] : memref<256xi32, #tpu.memory_space<vmem>> -> memref<128xi32, #tpu.memory_space<vmem>>
        %dma_start3A_1098 = tpu.memref_slice %arg4[%multiple_of3A_1089] : memref<323584xi32, #tpu.memory_space<hbm>> -> memref<128xi32, #tpu.memory_space<hbm>>
        %dma_start3A_1099 = arith.constant 128 : i32
        %dma_start3A_1100 = tpu.memref_slice %arg12[%dma_start3A_1099] : memref<256xi32, #tpu.memory_space<vmem>> -> memref<128xi32, #tpu.memory_space<vmem>>
        %dma_start3A_1101 = tpu.memref_slice %arg4[%multiple_of3A_1089] : memref<323584xi32, #tpu.memory_space<hbm>> -> memref<128xi32, #tpu.memory_space<hbm>>
        tpu.enqueue_dma source(%dma_start3A_1101 : memref<128xi32, #tpu.memory_space<hbm>>) target(%dma_start3A_1100 : memref<128xi32, #tpu.memory_space<vmem>>) target_semaphore(%arg21 : memref<!tpu.dma_semaphore, #tpu.memory_space<semaphore_mem>>)
      } else {
      }
      %ge3A = arith.constant 2 : i32
      %ge3A_106 = arith.cmpi sge, %mul3A_89, %ge3A : i32
      %convert_element_type3A_107 = arith.extui %ge3A_106 : i1 to i32
      %cond3A_108 = arith.constant 0 : i32
      %cond3A_109 = arith.cmpi ne, %convert_element_type3A_107, %cond3A_108 : i32
      scf.if %cond3A_109 {
        %dma_wait3A_1087 = arith.constant 0 : i32
        %dma_wait3A_1088 = tpu.memref_slice %arg6[%dma_wait3A_1087] : memref<40064xf32, #tpu.memory_space<hbm>> -> memref<128xf32, #tpu.memory_space<hbm>>
        %dma_wait3A_1089 = arith.constant 0 : i32
        %dma_wait3A_1090 = tpu.memref_slice %arg6[%dma_wait3A_1089] : memref<40064xf32, #tpu.memory_space<hbm>> -> memref<128xf32, #tpu.memory_space<hbm>>
        tpu.wait_dma2 semaphore(%arg24 : memref<!tpu.dma_semaphore, #tpu.memory_space<semaphore_mem>>) src(%dma_wait3A_1090 : memref<128xf32, #tpu.memory_space<hbm>>) dst(%arg14 : memref<128xf32, #tpu.memory_space<vmem>>)
      } else {
      }
      %ge3A_110 = arith.constant 2 : i32
      %ge3A_111 = arith.cmpi sge, %mul3A_89, %ge3A_110 : i32
      %eq3A_112 = arith.constant 1 : i32
      %eq3A_113 = arith.cmpi eq, %arg0, %eq3A_112 : i32
      %and3A = arith.andi %ge3A_111, %eq3A_113 : i1
      %convert_element_type3A_114 = arith.extui %and3A : i1 to i32
      %cond3A_115 = arith.constant 0 : i32
      %cond3A_116 = arith.cmpi ne, %convert_element_type3A_114, %cond3A_115 : i32
      scf.if %cond3A_116 {
        %dma_wait3A_1087 = arith.constant 0 : i32
        %dma_wait3A_1088 = tpu.memref_slice %arg6[%dma_wait3A_1087] : memref<40064xf32, #tpu.memory_space<hbm>> -> memref<128xf32, #tpu.memory_space<hbm>>
        %dma_wait3A_1089 = arith.constant 0 : i32
        %dma_wait3A_1090 = tpu.memref_slice %arg6[%dma_wait3A_1089] : memref<40064xf32, #tpu.memory_space<hbm>> -> memref<128xf32, #tpu.memory_space<hbm>>
        tpu.wait_dma2 semaphore(%arg24 : memref<!tpu.dma_semaphore, #tpu.memory_space<semaphore_mem>>) src(%dma_wait3A_1090 : memref<128xf32, #tpu.memory_space<hbm>>) dst(%arg14 : memref<128xf32, #tpu.memory_space<vmem>>)
      } else {
      }
      %get3A = arith.constant 0 : index
      %get3A_117 = tpu.vector_load %arg12[%get3A] {strides = array<i32>} : memref<256xi32, #tpu.memory_space<vmem>>, vector<16xi32>,
      %get3A_118 = vector.shape_cast %get3A_117 : vector<16xi32> to vector<16xi32>
      %shift_right_arithmetic3A = arith.constant 10 : i32
      %shift_right_arithmetic3A_119 = vector.broadcast %shift_right_arithmetic3A : i32 to vector<16xi32>
      %shift_right_arithmetic3A_120 = arith.shrsi %get3A_118, %shift_right_arithmetic3A_119 : vector<16xi32>
      %and3A_121 = arith.constant 1023 : i32
      %and3A_122 = vector.broadcast %and3A_121 : i32 to vector<16xi32>
      %and3A_123 = arith.andi %get3A_118, %and3A_122 : vector<16xi32>
      %and3A_124 = arith.constant 127 : i32
      %and3A_125 = vector.broadcast %and3A_124 : i32 to vector<16xi32>
      %and3A_126 = arith.andi %and3A_123, %and3A_125 : vector<16xi32>
      %shift_right_arithmetic3A_127 = arith.constant 7 : i32
      %shift_right_arithmetic3A_128 = vector.broadcast %shift_right_arithmetic3A_127 : i32 to vector<16xi32>
      %shift_right_arithmetic3A_129 = arith.shrsi %and3A_123, %shift_right_arithmetic3A_128 : vector<16xi32>
      %mul3A_130 = arith.constant 64 : i32
      %mul3A_131 = vector.broadcast %mul3A_130 : i32 to vector<16xi32>
      %mul3A_132 = arith.muli %shift_right_arithmetic3A_120, %mul3A_131 : vector<16xi32>
      %ge3A_133 = vector.broadcast %mul3A_50 : i32 to vector<16xi32>
      %ge3A_134 = arith.cmpi sge, %and3A_126, %ge3A_133 : vector<16xi32>
      %add3A_135 = arith.constant 64 : i32
      %add3A_136 = arith.addi %mul3A_50, %add3A_135 : i32
      %lt3A_137 = vector.broadcast %add3A_136 : i32 to vector<16xi32>
      %lt3A_138 = arith.cmpi slt, %and3A_126, %lt3A_137 : vector<16xi32>
      %and3A_139 = arith.andi %ge3A_134, %lt3A_138 : vector<16xi1>
      %sub3A = vector.broadcast %mul3A_50 : i32 to vector<16xi32>
      %sub3A_140 = arith.subi %and3A_126, %sub3A : vector<16xi32>
      %add3A_141 = arith.addi %mul3A_132, %sub3A_140 : vector<16xi32>
      %add3A_142 = arith.addi %mul3A_132, %and3A_126 : vector<16xi32>
      %and3A_143 = arith.constant 1023 : i32
      %and3A_144 = vector.broadcast %and3A_143 : i32 to vector<16xi32>
      %and3A_145 = arith.andi %add3A_142, %and3A_144 : vector<16xi32>
      %add3A_146 = arith.constant 640000 : i32
      %add3A_147 = vector.broadcast %add3A_146 : i32 to vector<16xi32>
      %add3A_148 = arith.addi %add3A_147, %and3A_145 : vector<16xi32>
      %select_n3A = arith.select %and3A_139, %add3A_141, %add3A_148 : vector<16xi1>, vector<16xi32>
      %swap3A_149 = arith.constant 0 : i32
      %swap3A_150 = arith.index_cast %swap3A_149 : i32 to index
      %swap3A_151 = arith.constant 0 : index
      %swap3A_152 = tpu.vector_load %arg13[%swap3A_150, %swap3A_151] {strides = array<i32>} : memref<4x128xi32, #tpu.memory_space<vmem>>, vector<1x16xi32>,
      %swap3A_153 = vector.shape_cast %swap3A_152 : vector<1x16xi32> to vector<16xi32>
      %swap3A_154 = vector.shape_cast %select_n3A : vector<16xi32> to vector<1x16xi32>
      tpu.vector_store %arg13[%swap3A_150, %swap3A_151], %swap3A_154 {strides = array<i32>} : memref<4x128xi32, #tpu.memory_space<vmem>>, vector<1x16xi32>,
      %add3A_155 = arith.constant 56 : i32
      %add3A_156 = vector.broadcast %add3A_155 : i32 to vector<16xi32>
      %add3A_157 = arith.addi %add3A_156, %shift_right_arithmetic3A_129 : vector<16xi32>
      %add3A_158 = arith.addi %mul3A_132, %add3A_157 : vector<16xi32>
      %swap3A_159 = arith.constant 1 : i32
      %swap3A_160 = arith.index_cast %swap3A_159 : i32 to index
      %swap3A_161 = arith.constant 0 : index
      %swap3A_162 = tpu.vector_load %arg13[%swap3A_160, %swap3A_161] {strides = array<i32>} : memref<4x128xi32, #tpu.memory_space<vmem>>, vector<1x16xi32>,
      %swap3A_163 = vector.shape_cast %swap3A_162 : vector<1x16xi32> to vector<16xi32>
      %swap3A_164 = vector.shape_cast %add3A_158 : vector<16xi32> to vector<1x16xi32>
      tpu.vector_store %arg13[%swap3A_160, %swap3A_161], %swap3A_164 {strides = array<i32>} : memref<4x128xi32, #tpu.memory_space<vmem>>, vector<1x16xi32>,
      %swap3A_165 = arith.constant 0 : index
      %swap3A_166 = tpu.vector_load %arg15[%swap3A_165] {strides = array<i32>} : memref<32xi32, #tpu.memory_space<vmem>>, vector<16xi32>,
      %swap3A_167 = vector.shape_cast %swap3A_166 : vector<16xi32> to vector<16xi32>
      %swap3A_168 = vector.shape_cast %shift_right_arithmetic3A_120 : vector<16xi32> to vector<16xi32>
      tpu.vector_store %arg15[%swap3A_165], %swap3A_168 {strides = array<i32>} : memref<32xi32, #tpu.memory_space<vmem>>, vector<16xi32>,
      %get3A_169 = arith.constant 16 : index
      %get3A_170 = tpu.vector_load %arg12[%get3A_169] {strides = array<i32>} : memref<256xi32, #tpu.memory_space<vmem>>, vector<16xi32>,
      %get3A_171 = vector.shape_cast %get3A_170 : vector<16xi32> to vector<16xi32>
      %shift_right_arithmetic3A_172 = arith.constant 10 : i32
      %shift_right_arithmetic3A_173 = vector.broadcast %shift_right_arithmetic3A_172 : i32 to vector<16xi32>
      %shift_right_arithmetic3A_174 = arith.shrsi %get3A_171, %shift_right_arithmetic3A_173 : vector<16xi32>
      %and3A_175 = arith.constant 1023 : i32
      %and3A_176 = vector.broadcast %and3A_175 : i32 to vector<16xi32>
      %and3A_177 = arith.andi %get3A_171, %and3A_176 : vector<16xi32>
      %and3A_178 = arith.constant 127 : i32
      %and3A_179 = vector.broadcast %and3A_178 : i32 to vector<16xi32>
      %and3A_180 = arith.andi %and3A_177, %and3A_179 : vector<16xi32>
      %shift_right_arithmetic3A_181 = arith.constant 7 : i32
      %shift_right_arithmetic3A_182 = vector.broadcast %shift_right_arithmetic3A_181 : i32 to vector<16xi32>
      %shift_right_arithmetic3A_183 = arith.shrsi %and3A_177, %shift_right_arithmetic3A_182 : vector<16xi32>
      %mul3A_184 = arith.constant 64 : i32
      %mul3A_185 = vector.broadcast %mul3A_184 : i32 to vector<16xi32>
      %mul3A_186 = arith.muli %shift_right_arithmetic3A_174, %mul3A_185 : vector<16xi32>
      %ge3A_187 = vector.broadcast %mul3A_50 : i32 to vector<16xi32>
      %ge3A_188 = arith.cmpi sge, %and3A_180, %ge3A_187 : vector<16xi32>
      %add3A_189 = arith.constant 64 : i32
      %add3A_190 = arith.addi %mul3A_50, %add3A_189 : i32
      %lt3A_191 = vector.broadcast %add3A_190 : i32 to vector<16xi32>
      %lt3A_192 = arith.cmpi slt, %and3A_180, %lt3A_191 : vector<16xi32>
      %and3A_193 = arith.andi %ge3A_188, %lt3A_192 : vector<16xi1>
      %sub3A_194 = vector.broadcast %mul3A_50 : i32 to vector<16xi32>
      %sub3A_195 = arith.subi %and3A_180, %sub3A_194 : vector<16xi32>
      %add3A_196 = arith.addi %mul3A_186, %sub3A_195 : vector<16xi32>
      %add3A_197 = arith.addi %mul3A_186, %and3A_180 : vector<16xi32>
      %and3A_198 = arith.constant 1023 : i32
      %and3A_199 = vector.broadcast %and3A_198 : i32 to vector<16xi32>
      %and3A_200 = arith.andi %add3A_197, %and3A_199 : vector<16xi32>
      %add3A_201 = arith.constant 640000 : i32
      %add3A_202 = vector.broadcast %add3A_201 : i32 to vector<16xi32>
      %add3A_203 = arith.addi %add3A_202, %and3A_200 : vector<16xi32>
      %select_n3A_204 = arith.select %and3A_193, %add3A_196, %add3A_203 : vector<16xi1>, vector<16xi32>
      %swap3A_205 = arith.constant 0 : i32
      %swap3A_206 = arith.index_cast %swap3A_205 : i32 to index
      %swap3A_207 = arith.constant 16 : index
      %swap3A_208 = tpu.vector_load %arg13[%swap3A_206, %swap3A_207] {strides = array<i32>} : memref<4x128xi32, #tpu.memory_space<vmem>>, vector<1x16xi32>,
      %swap3A_209 = vector.shape_cast %swap3A_208 : vector<1x16xi32> to vector<16xi32>
      %swap3A_210 = vector.shape_cast %select_n3A_204 : vector<16xi32> to vector<1x16xi32>
      tpu.vector_store %arg13[%swap3A_206, %swap3A_207], %swap3A_210 {strides = array<i32>} : memref<4x128xi32, #tpu.memory_space<vmem>>, vector<1x16xi32>,
      %add3A_211 = arith.constant 56 : i32
      %add3A_212 = vector.broadcast %add3A_211 : i32 to vector<16xi32>
      %add3A_213 = arith.addi %add3A_212, %shift_right_arithmetic3A_183 : vector<16xi32>
      %add3A_214 = arith.addi %mul3A_186, %add3A_213 : vector<16xi32>
      %swap3A_215 = arith.constant 1 : i32
      %swap3A_216 = arith.index_cast %swap3A_215 : i32 to index
      %swap3A_217 = arith.constant 16 : index
      %swap3A_218 = tpu.vector_load %arg13[%swap3A_216, %swap3A_217] {strides = array<i32>} : memref<4x128xi32, #tpu.memory_space<vmem>>, vector<1x16xi32>,
      %swap3A_219 = vector.shape_cast %swap3A_218 : vector<1x16xi32> to vector<16xi32>
      %swap3A_220 = vector.shape_cast %add3A_214 : vector<16xi32> to vector<1x16xi32>
      tpu.vector_store %arg13[%swap3A_216, %swap3A_217], %swap3A_220 {strides = array<i32>} : memref<4x128xi32, #tpu.memory_space<vmem>>, vector<1x16xi32>,
      %swap3A_221 = arith.constant 16 : index
      %swap3A_222 = tpu.vector_load %arg15[%swap3A_221] {strides = array<i32>} : memref<32xi32, #tpu.memory_space<vmem>>, vector<16xi32>,
      %swap3A_223 = vector.shape_cast %swap3A_222 : vector<16xi32> to vector<16xi32>
      %swap3A_224 = vector.shape_cast %shift_right_arithmetic3A_174 : vector<16xi32> to vector<16xi32>
      tpu.vector_store %arg15[%swap3A_221], %swap3A_224 {strides = array<i32>} : memref<32xi32, #tpu.memory_space<vmem>>, vector<16xi32>,
      %get3A_225 = arith.constant 32 : index
      %get3A_226 = tpu.vector_load %arg12[%get3A_225] {strides = array<i32>} : memref<256xi32, #tpu.memory_space<vmem>>, vector<16xi32>,
      %get3A_227 = vector.shape_cast %get3A_226 : vector<16xi32> to vector<16xi32>
      %shift_right_arithmetic3A_228 = arith.constant 10 : i32
      %shift_right_arithmetic3A_229 = vector.broadcast %shift_right_arithmetic3A_228 : i32 to vector<16xi32>
      %shift_right_arithmetic3A_230 = arith.shrsi %get3A_227, %shift_right_arithmetic3A_229 : vector<16xi32>
      %and3A_231 = arith.constant 1023 : i32
      %and3A_232 = vector.broadcast %and3A_231 : i32 to vector<16xi32>
      %and3A_233 = arith.andi %get3A_227, %and3A_232 : vector<16xi32>
      %and3A_234 = arith.constant 127 : i32
      %and3A_235 = vector.broadcast %and3A_234 : i32 to vector<16xi32>
      %and3A_236 = arith.andi %and3A_233, %and3A_235 : vector<16xi32>
      %shift_right_arithmetic3A_237 = arith.constant 7 : i32
      %shift_right_arithmetic3A_238 = vector.broadcast %shift_right_arithmetic3A_237 : i32 to vector<16xi32>
      %shift_right_arithmetic3A_239 = arith.shrsi %and3A_233, %shift_right_arithmetic3A_238 : vector<16xi32>
      %mul3A_240 = arith.constant 64 : i32
      %mul3A_241 = vector.broadcast %mul3A_240 : i32 to vector<16xi32>
      %mul3A_242 = arith.muli %shift_right_arithmetic3A_230, %mul3A_241 : vector<16xi32>
      %ge3A_243 = vector.broadcast %mul3A_50 : i32 to vector<16xi32>
      %ge3A_244 = arith.cmpi sge, %and3A_236, %ge3A_243 : vector<16xi32>
      %add3A_245 = arith.constant 64 : i32
      %add3A_246 = arith.addi %mul3A_50, %add3A_245 : i32
      %lt3A_247 = vector.broadcast %add3A_246 : i32 to vector<16xi32>
      %lt3A_248 = arith.cmpi slt, %and3A_236, %lt3A_247 : vector<16xi32>
      %and3A_249 = arith.andi %ge3A_244, %lt3A_248 : vector<16xi1>
      %sub3A_250 = vector.broadcast %mul3A_50 : i32 to vector<16xi32>
      %sub3A_251 = arith.subi %and3A_236, %sub3A_250 : vector<16xi32>
      %add3A_252 = arith.addi %mul3A_242, %sub3A_251 : vector<16xi32>
      %add3A_253 = arith.addi %mul3A_242, %and3A_236 : vector<16xi32>
      %and3A_254 = arith.constant 1023 : i32
      %and3A_255 = vector.broadcast %and3A_254 : i32 to vector<16xi32>
      %and3A_256 = arith.andi %add3A_253, %and3A_255 : vector<16xi32>
      %add3A_257 = arith.constant 640000 : i32
      %add3A_258 = vector.broadcast %add3A_257 : i32 to vector<16xi32>
      %add3A_259 = arith.addi %add3A_258, %and3A_256 : vector<16xi32>
      %select_n3A_260 = arith.select %and3A_249, %add3A_252, %add3A_259 : vector<16xi1>, vector<16xi32>
      %swap3A_261 = arith.constant 0 : i32
      %swap3A_262 = arith.index_cast %swap3A_261 : i32 to index
      %swap3A_263 = arith.constant 32 : index
      %swap3A_264 = tpu.vector_load %arg13[%swap3A_262, %swap3A_263] {strides = array<i32>} : memref<4x128xi32, #tpu.memory_space<vmem>>, vector<1x16xi32>,
      %swap3A_265 = vector.shape_cast %swap3A_264 : vector<1x16xi32> to vector<16xi32>
      %swap3A_266 = vector.shape_cast %select_n3A_260 : vector<16xi32> to vector<1x16xi32>
      tpu.vector_store %arg13[%swap3A_262, %swap3A_263], %swap3A_266 {strides = array<i32>} : memref<4x128xi32, #tpu.memory_space<vmem>>, vector<1x16xi32>,
      %add3A_267 = arith.constant 56 : i32
      %add3A_268 = vector.broadcast %add3A_267 : i32 to vector<16xi32>
      %add3A_269 = arith.addi %add3A_268, %shift_right_arithmetic3A_239 : vector<16xi32>
      %add3A_270 = arith.addi %mul3A_242, %add3A_269 : vector<16xi32>
      %swap3A_271 = arith.constant 1 : i32
      %swap3A_272 = arith.index_cast %swap3A_271 : i32 to index
      %swap3A_273 = arith.constant 32 : index
      %swap3A_274 = tpu.vector_load %arg13[%swap3A_272, %swap3A_273] {strides = array<i32>} : memref<4x128xi32, #tpu.memory_space<vmem>>, vector<1x16xi32>,
      %swap3A_275 = vector.shape_cast %swap3A_274 : vector<1x16xi32> to vector<16xi32>
      %swap3A_276 = vector.shape_cast %add3A_270 : vector<16xi32> to vector<1x16xi32>
      tpu.vector_store %arg13[%swap3A_272, %swap3A_273], %swap3A_276 {strides = array<i32>} : memref<4x128xi32, #tpu.memory_space<vmem>>, vector<1x16xi32>,
      %swap3A_277 = arith.constant 0 : index
      %swap3A_278 = tpu.vector_load %arg16[%swap3A_277] {strides = array<i32>} : memref<32xi32, #tpu.memory_space<vmem>>, vector<16xi32>,
      %swap3A_279 = vector.shape_cast %swap3A_278 : vector<16xi32> to vector<16xi32>
      %swap3A_280 = vector.shape_cast %shift_right_arithmetic3A_230 : vector<16xi32> to vector<16xi32>
      tpu.vector_store %arg16[%swap3A_277], %swap3A_280 {strides = array<i32>} : memref<32xi32, #tpu.memory_space<vmem>>, vector<16xi32>,
      %get3A_281 = arith.constant 48 : index
      %get3A_282 = tpu.vector_load %arg12[%get3A_281] {strides = array<i32>} : memref<256xi32, #tpu.memory_space<vmem>>, vector<16xi32>,
      %get3A_283 = vector.shape_cast %get3A_282 : vector<16xi32> to vector<16xi32>
      %shift_right_arithmetic3A_284 = arith.constant 10 : i32
      %shift_right_arithmetic3A_285 = vector.broadcast %shift_right_arithmetic3A_284 : i32 to vector<16xi32>
      %shift_right_arithmetic3A_286 = arith.shrsi %get3A_283, %shift_right_arithmetic3A_285 : vector<16xi32>
      %and3A_287 = arith.constant 1023 : i32
      %and3A_288 = vector.broadcast %and3A_287 : i32 to vector<16xi32>
      %and3A_289 = arith.andi %get3A_283, %and3A_288 : vector<16xi32>
      %and3A_290 = arith.constant 127 : i32
      %and3A_291 = vector.broadcast %and3A_290 : i32 to vector<16xi32>
      %and3A_292 = arith.andi %and3A_289, %and3A_291 : vector<16xi32>
      %shift_right_arithmetic3A_293 = arith.constant 7 : i32
      %shift_right_arithmetic3A_294 = vector.broadcast %shift_right_arithmetic3A_293 : i32 to vector<16xi32>
      %shift_right_arithmetic3A_295 = arith.shrsi %and3A_289, %shift_right_arithmetic3A_294 : vector<16xi32>
      %mul3A_296 = arith.constant 64 : i32
      %mul3A_297 = vector.broadcast %mul3A_296 : i32 to vector<16xi32>
      %mul3A_298 = arith.muli %shift_right_arithmetic3A_286, %mul3A_297 : vector<16xi32>
      %ge3A_299 = vector.broadcast %mul3A_50 : i32 to vector<16xi32>
      %ge3A_300 = arith.cmpi sge, %and3A_292, %ge3A_299 : vector<16xi32>
      %add3A_301 = arith.constant 64 : i32
      %add3A_302 = arith.addi %mul3A_50, %add3A_301 : i32
      %lt3A_303 = vector.broadcast %add3A_302 : i32 to vector<16xi32>
      %lt3A_304 = arith.cmpi slt, %and3A_292, %lt3A_303 : vector<16xi32>
      %and3A_305 = arith.andi %ge3A_300, %lt3A_304 : vector<16xi1>
      %sub3A_306 = vector.broadcast %mul3A_50 : i32 to vector<16xi32>
      %sub3A_307 = arith.subi %and3A_292, %sub3A_306 : vector<16xi32>
      %add3A_308 = arith.addi %mul3A_298, %sub3A_307 : vector<16xi32>
      %add3A_309 = arith.addi %mul3A_298, %and3A_292 : vector<16xi32>
      %and3A_310 = arith.constant 1023 : i32
      %and3A_311 = vector.broadcast %and3A_310 : i32 to vector<16xi32>
      %and3A_312 = arith.andi %add3A_309, %and3A_311 : vector<16xi32>
      %add3A_313 = arith.constant 640000 : i32
      %add3A_314 = vector.broadcast %add3A_313 : i32 to vector<16xi32>
      %add3A_315 = arith.addi %add3A_314, %and3A_312 : vector<16xi32>
      %select_n3A_316 = arith.select %and3A_305, %add3A_308, %add3A_315 : vector<16xi1>, vector<16xi32>
      %swap3A_317 = arith.constant 0 : i32
      %swap3A_318 = arith.index_cast %swap3A_317 : i32 to index
      %swap3A_319 = arith.constant 48 : index
      %swap3A_320 = tpu.vector_load %arg13[%swap3A_318, %swap3A_319] {strides = array<i32>} : memref<4x128xi32, #tpu.memory_space<vmem>>, vector<1x16xi32>,
      %swap3A_321 = vector.shape_cast %swap3A_320 : vector<1x16xi32> to vector<16xi32>
      %swap3A_322 = vector.shape_cast %select_n3A_316 : vector<16xi32> to vector<1x16xi32>
      tpu.vector_store %arg13[%swap3A_318, %swap3A_319], %swap3A_322 {strides = array<i32>} : memref<4x128xi32, #tpu.memory_space<vmem>>, vector<1x16xi32>,
      %add3A_323 = arith.constant 56 : i32
      %add3A_324 = vector.broadcast %add3A_323 : i32 to vector<16xi32>
      %add3A_325 = arith.addi %add3A_324, %shift_right_arithmetic3A_295 : vector<16xi32>
      %add3A_326 = arith.addi %mul3A_298, %add3A_325 : vector<16xi32>
      %swap3A_327 = arith.constant 1 : i32
      %swap3A_328 = arith.index_cast %swap3A_327 : i32 to index
      %swap3A_329 = arith.constant 48 : index
      %swap3A_330 = tpu.vector_load %arg13[%swap3A_328, %swap3A_329] {strides = array<i32>} : memref<4x128xi32, #tpu.memory_space<vmem>>, vector<1x16xi32>,
      %swap3A_331 = vector.shape_cast %swap3A_330 : vector<1x16xi32> to vector<16xi32>
      %swap3A_332 = vector.shape_cast %add3A_326 : vector<16xi32> to vector<1x16xi32>
      tpu.vector_store %arg13[%swap3A_328, %swap3A_329], %swap3A_332 {strides = array<i32>} : memref<4x128xi32, #tpu.memory_space<vmem>>, vector<1x16xi32>,
      %swap3A_333 = arith.constant 16 : index
      %swap3A_334 = tpu.vector_load %arg16[%swap3A_333] {strides = array<i32>} : memref<32xi32, #tpu.memory_space<vmem>>, vector<16xi32>,
      %swap3A_335 = vector.shape_cast %swap3A_334 : vector<16xi32> to vector<16xi32>
      %swap3A_336 = vector.shape_cast %shift_right_arithmetic3A_286 : vector<16xi32> to vector<16xi32>
      tpu.vector_store %arg16[%swap3A_333], %swap3A_336 {strides = array<i32>} : memref<32xi32, #tpu.memory_space<vmem>>, vector<16xi32>,
      %get3A_337 = arith.constant 64 : index
      %get3A_338 = tpu.vector_load %arg12[%get3A_337] {strides = array<i32>} : memref<256xi32, #tpu.memory_space<vmem>>, vector<16xi32>,
      %get3A_339 = vector.shape_cast %get3A_338 : vector<16xi32> to vector<16xi32>
      %shift_right_arithmetic3A_340 = arith.constant 10 : i32
      %shift_right_arithmetic3A_341 = vector.broadcast %shift_right_arithmetic3A_340 : i32 to vector<16xi32>
      %shift_right_arithmetic3A_342 = arith.shrsi %get3A_339, %shift_right_arithmetic3A_341 : vector<16xi32>
      %and3A_343 = arith.constant 1023 : i32
      %and3A_344 = vector.broadcast %and3A_343 : i32 to vector<16xi32>
      %and3A_345 = arith.andi %get3A_339, %and3A_344 : vector<16xi32>
      %and3A_346 = arith.constant 127 : i32
      %and3A_347 = vector.broadcast %and3A_346 : i32 to vector<16xi32>
      %and3A_348 = arith.andi %and3A_345, %and3A_347 : vector<16xi32>
      %shift_right_arithmetic3A_349 = arith.constant 7 : i32
      %shift_right_arithmetic3A_350 = vector.broadcast %shift_right_arithmetic3A_349 : i32 to vector<16xi32>
      %shift_right_arithmetic3A_351 = arith.shrsi %and3A_345, %shift_right_arithmetic3A_350 : vector<16xi32>
      %mul3A_352 = arith.constant 64 : i32
      %mul3A_353 = vector.broadcast %mul3A_352 : i32 to vector<16xi32>
      %mul3A_354 = arith.muli %shift_right_arithmetic3A_342, %mul3A_353 : vector<16xi32>
      %ge3A_355 = vector.broadcast %mul3A_50 : i32 to vector<16xi32>
      %ge3A_356 = arith.cmpi sge, %and3A_348, %ge3A_355 : vector<16xi32>
      %add3A_357 = arith.constant 64 : i32
      %add3A_358 = arith.addi %mul3A_50, %add3A_357 : i32
      %lt3A_359 = vector.broadcast %add3A_358 : i32 to vector<16xi32>
      %lt3A_360 = arith.cmpi slt, %and3A_348, %lt3A_359 : vector<16xi32>
      %and3A_361 = arith.andi %ge3A_356, %lt3A_360 : vector<16xi1>
      %sub3A_362 = vector.broadcast %mul3A_50 : i32 to vector<16xi32>
      %sub3A_363 = arith.subi %and3A_348, %sub3A_362 : vector<16xi32>
      %add3A_364 = arith.addi %mul3A_354, %sub3A_363 : vector<16xi32>
      %add3A_365 = arith.addi %mul3A_354, %and3A_348 : vector<16xi32>
      %and3A_366 = arith.constant 1023 : i32
      %and3A_367 = vector.broadcast %and3A_366 : i32 to vector<16xi32>
      %and3A_368 = arith.andi %add3A_365, %and3A_367 : vector<16xi32>
      %add3A_369 = arith.constant 640000 : i32
      %add3A_370 = vector.broadcast %add3A_369 : i32 to vector<16xi32>
      %add3A_371 = arith.addi %add3A_370, %and3A_368 : vector<16xi32>
      %select_n3A_372 = arith.select %and3A_361, %add3A_364, %add3A_371 : vector<16xi1>, vector<16xi32>
      %swap3A_373 = arith.constant 0 : i32
      %swap3A_374 = arith.index_cast %swap3A_373 : i32 to index
      %swap3A_375 = arith.constant 64 : index
      %swap3A_376 = tpu.vector_load %arg13[%swap3A_374, %swap3A_375] {strides = array<i32>} : memref<4x128xi32, #tpu.memory_space<vmem>>, vector<1x16xi32>,
      %swap3A_377 = vector.shape_cast %swap3A_376 : vector<1x16xi32> to vector<16xi32>
      %swap3A_378 = vector.shape_cast %select_n3A_372 : vector<16xi32> to vector<1x16xi32>
      tpu.vector_store %arg13[%swap3A_374, %swap3A_375], %swap3A_378 {strides = array<i32>} : memref<4x128xi32, #tpu.memory_space<vmem>>, vector<1x16xi32>,
      %add3A_379 = arith.constant 56 : i32
      %add3A_380 = vector.broadcast %add3A_379 : i32 to vector<16xi32>
      %add3A_381 = arith.addi %add3A_380, %shift_right_arithmetic3A_351 : vector<16xi32>
      %add3A_382 = arith.addi %mul3A_354, %add3A_381 : vector<16xi32>
      %swap3A_383 = arith.constant 1 : i32
      %swap3A_384 = arith.index_cast %swap3A_383 : i32 to index
      %swap3A_385 = arith.constant 64 : index
      %swap3A_386 = tpu.vector_load %arg13[%swap3A_384, %swap3A_385] {strides = array<i32>} : memref<4x128xi32, #tpu.memory_space<vmem>>, vector<1x16xi32>,
      %swap3A_387 = vector.shape_cast %swap3A_386 : vector<1x16xi32> to vector<16xi32>
      %swap3A_388 = vector.shape_cast %add3A_382 : vector<16xi32> to vector<1x16xi32>
      tpu.vector_store %arg13[%swap3A_384, %swap3A_385], %swap3A_388 {strides = array<i32>} : memref<4x128xi32, #tpu.memory_space<vmem>>, vector<1x16xi32>,
      %swap3A_389 = arith.constant 0 : index
      %swap3A_390 = tpu.vector_load %arg17[%swap3A_389] {strides = array<i32>} : memref<32xi32, #tpu.memory_space<vmem>>, vector<16xi32>,
      %swap3A_391 = vector.shape_cast %swap3A_390 : vector<16xi32> to vector<16xi32>
      %swap3A_392 = vector.shape_cast %shift_right_arithmetic3A_342 : vector<16xi32> to vector<16xi32>
      tpu.vector_store %arg17[%swap3A_389], %swap3A_392 {strides = array<i32>} : memref<32xi32, #tpu.memory_space<vmem>>, vector<16xi32>,
      %get3A_393 = arith.constant 80 : index
      %get3A_394 = tpu.vector_load %arg12[%get3A_393] {strides = array<i32>} : memref<256xi32, #tpu.memory_space<vmem>>, vector<16xi32>,
      %get3A_395 = vector.shape_cast %get3A_394 : vector<16xi32> to vector<16xi32>
      %shift_right_arithmetic3A_396 = arith.constant 10 : i32
      %shift_right_arithmetic3A_397 = vector.broadcast %shift_right_arithmetic3A_396 : i32 to vector<16xi32>
      %shift_right_arithmetic3A_398 = arith.shrsi %get3A_395, %shift_right_arithmetic3A_397 : vector<16xi32>
      %and3A_399 = arith.constant 1023 : i32
      %and3A_400 = vector.broadcast %and3A_399 : i32 to vector<16xi32>
      %and3A_401 = arith.andi %get3A_395, %and3A_400 : vector<16xi32>
      %and3A_402 = arith.constant 127 : i32
      %and3A_403 = vector.broadcast %and3A_402 : i32 to vector<16xi32>
      %and3A_404 = arith.andi %and3A_401, %and3A_403 : vector<16xi32>
      %shift_right_arithmetic3A_405 = arith.constant 7 : i32
      %shift_right_arithmetic3A_406 = vector.broadcast %shift_right_arithmetic3A_405 : i32 to vector<16xi32>
      %shift_right_arithmetic3A_407 = arith.shrsi %and3A_401, %shift_right_arithmetic3A_406 : vector<16xi32>
      %mul3A_408 = arith.constant 64 : i32
      %mul3A_409 = vector.broadcast %mul3A_408 : i32 to vector<16xi32>
      %mul3A_410 = arith.muli %shift_right_arithmetic3A_398, %mul3A_409 : vector<16xi32>
      %ge3A_411 = vector.broadcast %mul3A_50 : i32 to vector<16xi32>
      %ge3A_412 = arith.cmpi sge, %and3A_404, %ge3A_411 : vector<16xi32>
      %add3A_413 = arith.constant 64 : i32
      %add3A_414 = arith.addi %mul3A_50, %add3A_413 : i32
      %lt3A_415 = vector.broadcast %add3A_414 : i32 to vector<16xi32>
      %lt3A_416 = arith.cmpi slt, %and3A_404, %lt3A_415 : vector<16xi32>
      %and3A_417 = arith.andi %ge3A_412, %lt3A_416 : vector<16xi1>
      %sub3A_418 = vector.broadcast %mul3A_50 : i32 to vector<16xi32>
      %sub3A_419 = arith.subi %and3A_404, %sub3A_418 : vector<16xi32>
      %add3A_420 = arith.addi %mul3A_410, %sub3A_419 : vector<16xi32>
      %add3A_421 = arith.addi %mul3A_410, %and3A_404 : vector<16xi32>
      %and3A_422 = arith.constant 1023 : i32
      %and3A_423 = vector.broadcast %and3A_422 : i32 to vector<16xi32>
      %and3A_424 = arith.andi %add3A_421, %and3A_423 : vector<16xi32>
      %add3A_425 = arith.constant 640000 : i32
      %add3A_426 = vector.broadcast %add3A_425 : i32 to vector<16xi32>
      %add3A_427 = arith.addi %add3A_426, %and3A_424 : vector<16xi32>
      %select_n3A_428 = arith.select %and3A_417, %add3A_420, %add3A_427 : vector<16xi1>, vector<16xi32>
      %swap3A_429 = arith.constant 0 : i32
      %swap3A_430 = arith.index_cast %swap3A_429 : i32 to index
      %swap3A_431 = arith.constant 80 : index
      %swap3A_432 = tpu.vector_load %arg13[%swap3A_430, %swap3A_431] {strides = array<i32>} : memref<4x128xi32, #tpu.memory_space<vmem>>, vector<1x16xi32>,
      %swap3A_433 = vector.shape_cast %swap3A_432 : vector<1x16xi32> to vector<16xi32>
      %swap3A_434 = vector.shape_cast %select_n3A_428 : vector<16xi32> to vector<1x16xi32>
      tpu.vector_store %arg13[%swap3A_430, %swap3A_431], %swap3A_434 {strides = array<i32>} : memref<4x128xi32, #tpu.memory_space<vmem>>, vector<1x16xi32>,
      %add3A_435 = arith.constant 56 : i32
      %add3A_436 = vector.broadcast %add3A_435 : i32 to vector<16xi32>
      %add3A_437 = arith.addi %add3A_436, %shift_right_arithmetic3A_407 : vector<16xi32>
      %add3A_438 = arith.addi %mul3A_410, %add3A_437 : vector<16xi32>
      %swap3A_439 = arith.constant 1 : i32
      %swap3A_440 = arith.index_cast %swap3A_439 : i32 to index
      %swap3A_441 = arith.constant 80 : index
      %swap3A_442 = tpu.vector_load %arg13[%swap3A_440, %swap3A_441] {strides = array<i32>} : memref<4x128xi32, #tpu.memory_space<vmem>>, vector<1x16xi32>,
      %swap3A_443 = vector.shape_cast %swap3A_442 : vector<1x16xi32> to vector<16xi32>
      %swap3A_444 = vector.shape_cast %add3A_438 : vector<16xi32> to vector<1x16xi32>
      tpu.vector_store %arg13[%swap3A_440, %swap3A_441], %swap3A_444 {strides = array<i32>} : memref<4x128xi32, #tpu.memory_space<vmem>>, vector<1x16xi32>,
      %swap3A_445 = arith.constant 16 : index
      %swap3A_446 = tpu.vector_load %arg17[%swap3A_445] {strides = array<i32>} : memref<32xi32, #tpu.memory_space<vmem>>, vector<16xi32>,
      %swap3A_447 = vector.shape_cast %swap3A_446 : vector<16xi32> to vector<16xi32>
      %swap3A_448 = vector.shape_cast %shift_right_arithmetic3A_398 : vector<16xi32> to vector<16xi32>
      tpu.vector_store %arg17[%swap3A_445], %swap3A_448 {strides = array<i32>} : memref<32xi32, #tpu.memory_space<vmem>>, vector<16xi32>,
      %get3A_449 = arith.constant 96 : index
      %get3A_450 = tpu.vector_load %arg12[%get3A_449] {strides = array<i32>} : memref<256xi32, #tpu.memory_space<vmem>>, vector<16xi32>,
      %get3A_451 = vector.shape_cast %get3A_450 : vector<16xi32> to vector<16xi32>
      %shift_right_arithmetic3A_452 = arith.constant 10 : i32
      %shift_right_arithmetic3A_453 = vector.broadcast %shift_right_arithmetic3A_452 : i32 to vector<16xi32>
      %shift_right_arithmetic3A_454 = arith.shrsi %get3A_451, %shift_right_arithmetic3A_453 : vector<16xi32>
      %and3A_455 = arith.constant 1023 : i32
      %and3A_456 = vector.broadcast %and3A_455 : i32 to vector<16xi32>
      %and3A_457 = arith.andi %get3A_451, %and3A_456 : vector<16xi32>
      %and3A_458 = arith.constant 127 : i32
      %and3A_459 = vector.broadcast %and3A_458 : i32 to vector<16xi32>
      %and3A_460 = arith.andi %and3A_457, %and3A_459 : vector<16xi32>
      %shift_right_arithmetic3A_461 = arith.constant 7 : i32
      %shift_right_arithmetic3A_462 = vector.broadcast %shift_right_arithmetic3A_461 : i32 to vector<16xi32>
      %shift_right_arithmetic3A_463 = arith.shrsi %and3A_457, %shift_right_arithmetic3A_462 : vector<16xi32>
      %mul3A_464 = arith.constant 64 : i32
      %mul3A_465 = vector.broadcast %mul3A_464 : i32 to vector<16xi32>
      %mul3A_466 = arith.muli %shift_right_arithmetic3A_454, %mul3A_465 : vector<16xi32>
      %ge3A_467 = vector.broadcast %mul3A_50 : i32 to vector<16xi32>
      %ge3A_468 = arith.cmpi sge, %and3A_460, %ge3A_467 : vector<16xi32>
      %add3A_469 = arith.constant 64 : i32
      %add3A_470 = arith.addi %mul3A_50, %add3A_469 : i32
      %lt3A_471 = vector.broadcast %add3A_470 : i32 to vector<16xi32>
      %lt3A_472 = arith.cmpi slt, %and3A_460, %lt3A_471 : vector<16xi32>
      %and3A_473 = arith.andi %ge3A_468, %lt3A_472 : vector<16xi1>
      %sub3A_474 = vector.broadcast %mul3A_50 : i32 to vector<16xi32>
      %sub3A_475 = arith.subi %and3A_460, %sub3A_474 : vector<16xi32>
      %add3A_476 = arith.addi %mul3A_466, %sub3A_475 : vector<16xi32>
      %add3A_477 = arith.addi %mul3A_466, %and3A_460 : vector<16xi32>
      %and3A_478 = arith.constant 1023 : i32
      %and3A_479 = vector.broadcast %and3A_478 : i32 to vector<16xi32>
      %and3A_480 = arith.andi %add3A_477, %and3A_479 : vector<16xi32>
      %add3A_481 = arith.constant 640000 : i32
      %add3A_482 = vector.broadcast %add3A_481 : i32 to vector<16xi32>
      %add3A_483 = arith.addi %add3A_482, %and3A_480 : vector<16xi32>
      %select_n3A_484 = arith.select %and3A_473, %add3A_476, %add3A_483 : vector<16xi1>, vector<16xi32>
      %swap3A_485 = arith.constant 0 : i32
      %swap3A_486 = arith.index_cast %swap3A_485 : i32 to index
      %swap3A_487 = arith.constant 96 : index
      %swap3A_488 = tpu.vector_load %arg13[%swap3A_486, %swap3A_487] {strides = array<i32>} : memref<4x128xi32, #tpu.memory_space<vmem>>, vector<1x16xi32>,
      %swap3A_489 = vector.shape_cast %swap3A_488 : vector<1x16xi32> to vector<16xi32>
      %swap3A_490 = vector.shape_cast %select_n3A_484 : vector<16xi32> to vector<1x16xi32>
      tpu.vector_store %arg13[%swap3A_486, %swap3A_487], %swap3A_490 {strides = array<i32>} : memref<4x128xi32, #tpu.memory_space<vmem>>, vector<1x16xi32>,
      %add3A_491 = arith.constant 56 : i32
      %add3A_492 = vector.broadcast %add3A_491 : i32 to vector<16xi32>
      %add3A_493 = arith.addi %add3A_492, %shift_right_arithmetic3A_463 : vector<16xi32>
      %add3A_494 = arith.addi %mul3A_466, %add3A_493 : vector<16xi32>
      %swap3A_495 = arith.constant 1 : i32
      %swap3A_496 = arith.index_cast %swap3A_495 : i32 to index
      %swap3A_497 = arith.constant 96 : index
      %swap3A_498 = tpu.vector_load %arg13[%swap3A_496, %swap3A_497] {strides = array<i32>} : memref<4x128xi32, #tpu.memory_space<vmem>>, vector<1x16xi32>,
      %swap3A_499 = vector.shape_cast %swap3A_498 : vector<1x16xi32> to vector<16xi32>
      %swap3A_500 = vector.shape_cast %add3A_494 : vector<16xi32> to vector<1x16xi32>
      tpu.vector_store %arg13[%swap3A_496, %swap3A_497], %swap3A_500 {strides = array<i32>} : memref<4x128xi32, #tpu.memory_space<vmem>>, vector<1x16xi32>,
      %swap3A_501 = arith.constant 0 : index
      %swap3A_502 = tpu.vector_load %arg18[%swap3A_501] {strides = array<i32>} : memref<32xi32, #tpu.memory_space<vmem>>, vector<16xi32>,
      %swap3A_503 = vector.shape_cast %swap3A_502 : vector<16xi32> to vector<16xi32>
      %swap3A_504 = vector.shape_cast %shift_right_arithmetic3A_454 : vector<16xi32> to vector<16xi32>
      tpu.vector_store %arg18[%swap3A_501], %swap3A_504 {strides = array<i32>} : memref<32xi32, #tpu.memory_space<vmem>>, vector<16xi32>,
      %get3A_505 = arith.constant 112 : index
      %get3A_506 = tpu.vector_load %arg12[%get3A_505] {strides = array<i32>} : memref<256xi32, #tpu.memory_space<vmem>>, vector<16xi32>,
      %get3A_507 = vector.shape_cast %get3A_506 : vector<16xi32> to vector<16xi32>
      %shift_right_arithmetic3A_508 = arith.constant 10 : i32
      %shift_right_arithmetic3A_509 = vector.broadcast %shift_right_arithmetic3A_508 : i32 to vector<16xi32>
      %shift_right_arithmetic3A_510 = arith.shrsi %get3A_507, %shift_right_arithmetic3A_509 : vector<16xi32>
      %and3A_511 = arith.constant 1023 : i32
      %and3A_512 = vector.broadcast %and3A_511 : i32 to vector<16xi32>
      %and3A_513 = arith.andi %get3A_507, %and3A_512 : vector<16xi32>
      %and3A_514 = arith.constant 127 : i32
      %and3A_515 = vector.broadcast %and3A_514 : i32 to vector<16xi32>
      %and3A_516 = arith.andi %and3A_513, %and3A_515 : vector<16xi32>
      %shift_right_arithmetic3A_517 = arith.constant 7 : i32
      %shift_right_arithmetic3A_518 = vector.broadcast %shift_right_arithmetic3A_517 : i32 to vector<16xi32>
      %shift_right_arithmetic3A_519 = arith.shrsi %and3A_513, %shift_right_arithmetic3A_518 : vector<16xi32>
      %mul3A_520 = arith.constant 64 : i32
      %mul3A_521 = vector.broadcast %mul3A_520 : i32 to vector<16xi32>
      %mul3A_522 = arith.muli %shift_right_arithmetic3A_510, %mul3A_521 : vector<16xi32>
      %ge3A_523 = vector.broadcast %mul3A_50 : i32 to vector<16xi32>
      %ge3A_524 = arith.cmpi sge, %and3A_516, %ge3A_523 : vector<16xi32>
      %add3A_525 = arith.constant 64 : i32
      %add3A_526 = arith.addi %mul3A_50, %add3A_525 : i32
      %lt3A_527 = vector.broadcast %add3A_526 : i32 to vector<16xi32>
      %lt3A_528 = arith.cmpi slt, %and3A_516, %lt3A_527 : vector<16xi32>
      %and3A_529 = arith.andi %ge3A_524, %lt3A_528 : vector<16xi1>
      %sub3A_530 = vector.broadcast %mul3A_50 : i32 to vector<16xi32>
      %sub3A_531 = arith.subi %and3A_516, %sub3A_530 : vector<16xi32>
      %add3A_532 = arith.addi %mul3A_522, %sub3A_531 : vector<16xi32>
      %add3A_533 = arith.addi %mul3A_522, %and3A_516 : vector<16xi32>
      %and3A_534 = arith.constant 1023 : i32
      %and3A_535 = vector.broadcast %and3A_534 : i32 to vector<16xi32>
      %and3A_536 = arith.andi %add3A_533, %and3A_535 : vector<16xi32>
      %add3A_537 = arith.constant 640000 : i32
      %add3A_538 = vector.broadcast %add3A_537 : i32 to vector<16xi32>
      %add3A_539 = arith.addi %add3A_538, %and3A_536 : vector<16xi32>
      %select_n3A_540 = arith.select %and3A_529, %add3A_532, %add3A_539 : vector<16xi1>, vector<16xi32>
      %swap3A_541 = arith.constant 0 : i32
      %swap3A_542 = arith.index_cast %swap3A_541 : i32 to index
      %swap3A_543 = arith.constant 112 : index
      %swap3A_544 = tpu.vector_load %arg13[%swap3A_542, %swap3A_543] {strides = array<i32>} : memref<4x128xi32, #tpu.memory_space<vmem>>, vector<1x16xi32>,
      %swap3A_545 = vector.shape_cast %swap3A_544 : vector<1x16xi32> to vector<16xi32>
      %swap3A_546 = vector.shape_cast %select_n3A_540 : vector<16xi32> to vector<1x16xi32>
      tpu.vector_store %arg13[%swap3A_542, %swap3A_543], %swap3A_546 {strides = array<i32>} : memref<4x128xi32, #tpu.memory_space<vmem>>, vector<1x16xi32>,
      %add3A_547 = arith.constant 56 : i32
      %add3A_548 = vector.broadcast %add3A_547 : i32 to vector<16xi32>
      %add3A_549 = arith.addi %add3A_548, %shift_right_arithmetic3A_519 : vector<16xi32>
      %add3A_550 = arith.addi %mul3A_522, %add3A_549 : vector<16xi32>
      %swap3A_551 = arith.constant 1 : i32
      %swap3A_552 = arith.index_cast %swap3A_551 : i32 to index
      %swap3A_553 = arith.constant 112 : index
      %swap3A_554 = tpu.vector_load %arg13[%swap3A_552, %swap3A_553] {strides = array<i32>} : memref<4x128xi32, #tpu.memory_space<vmem>>, vector<1x16xi32>,
      %swap3A_555 = vector.shape_cast %swap3A_554 : vector<1x16xi32> to vector<16xi32>
      %swap3A_556 = vector.shape_cast %add3A_550 : vector<16xi32> to vector<1x16xi32>
      tpu.vector_store %arg13[%swap3A_552, %swap3A_553], %swap3A_556 {strides = array<i32>} : memref<4x128xi32, #tpu.memory_space<vmem>>, vector<1x16xi32>,
      %swap3A_557 = arith.constant 16 : index
      %swap3A_558 = tpu.vector_load %arg18[%swap3A_557] {strides = array<i32>} : memref<32xi32, #tpu.memory_space<vmem>>, vector<16xi32>,
      %swap3A_559 = vector.shape_cast %swap3A_558 : vector<16xi32> to vector<16xi32>
      %swap3A_560 = vector.shape_cast %shift_right_arithmetic3A_510 : vector<16xi32> to vector<16xi32>
      tpu.vector_store %arg18[%swap3A_557], %swap3A_560 {strides = array<i32>} : memref<32xi32, #tpu.memory_space<vmem>>, vector<16xi32>,
      %dma_start3A_561 = arith.constant 0 : i32
      %dma_start3A_562 = arith.constant 0 : i32
      %dma_start3A_563 = tpu.memref_slice %arg13[%dma_start3A_561, %dma_start3A_562] : memref<4x128xi32, #tpu.memory_space<vmem>> -> memref<1x128xi32, #tpu.memory_space<vmem>>
      %dma_start3A_564 = tpu.memref_squeeze %dma_start3A_563 : memref<1x128xi32, #tpu.memory_space<vmem>> -> memref<128xi32, #tpu.memory_space<vmem>>
      %dma_start3A_565 = arith.constant 0 : i32
      %dma_start3A_566 = tpu.memref_slice %arg10[%dma_start3A_565] : memref<641024xf32, #tpu.memory_space<vmem_shared>> -> memref<641024xf32, #tpu.memory_space<vmem_shared>>
      tpu.enqueue_indirect_dma source(%arg14 : memref<128xf32, #tpu.memory_space<vmem>>) target(%dma_start3A_566 : memref<641024xf32, #tpu.memory_space<vmem_shared>>) offsets(%dma_start3A_564 : memref<128xi32, #tpu.memory_space<vmem>>) semaphore(%arg24 : memref<!tpu.dma_semaphore, #tpu.memory_space<semaphore_mem>>) {add = true}
      %eq3A_567 = arith.constant 1 : i32
      %eq3A_568 = arith.cmpi eq, %arg0, %eq3A_567 : i32
      %convert_element_type3A_569 = arith.extui %eq3A_568 : i1 to i32
      %cond3A_570 = arith.constant 0 : i32
      %cond3A_571 = arith.cmpi ne, %convert_element_type3A_569, %cond3A_570 : i32
      scf.if %cond3A_571 {
        %dma_start3A_1087 = arith.constant 1 : i32
        %dma_start3A_1088 = arith.constant 0 : i32
        %dma_start3A_1089 = tpu.memref_slice %arg13[%dma_start3A_1087, %dma_start3A_1088] : memref<4x128xi32, #tpu.memory_space<vmem>> -> memref<1x128xi32, #tpu.memory_space<vmem>>
        %dma_start3A_1090 = tpu.memref_squeeze %dma_start3A_1089 : memref<1x128xi32, #tpu.memory_space<vmem>> -> memref<128xi32, #tpu.memory_space<vmem>>
        %dma_start3A_1091 = arith.constant 0 : i32
        %dma_start3A_1092 = tpu.memref_slice %arg10[%dma_start3A_1091] : memref<641024xf32, #tpu.memory_space<vmem_shared>> -> memref<641024xf32, #tpu.memory_space<vmem_shared>>
        tpu.enqueue_indirect_dma source(%arg14 : memref<128xf32, #tpu.memory_space<vmem>>) target(%dma_start3A_1092 : memref<641024xf32, #tpu.memory_space<vmem_shared>>) offsets(%dma_start3A_1090 : memref<128xi32, #tpu.memory_space<vmem>>) semaphore(%arg24 : memref<!tpu.dma_semaphore, #tpu.memory_space<semaphore_mem>>) {add = true}
      } else {
      }
      %eq3A_572 = arith.constant 0 : i32
      %eq3A_573 = arith.cmpi eq, %arg0, %eq3A_572 : i32
      %lt3A_574 = arith.constant 101 : i32
      %lt3A_575 = arith.cmpi slt, %mul3A_89, %lt3A_574 : i32
      %ge3A_576 = arith.constant 101 : i32
      %ge3A_577 = arith.cmpi sge, %mul3A_89, %ge3A_576 : i32
      %select_n3A_578 = arith.select %eq3A_573, %lt3A_575, %ge3A_577 : i1
      %convert_element_type3A_579 = arith.extui %select_n3A_578 : i1 to i32
      %cond3A_580 = arith.constant 0 : i32
      %cond3A_581 = arith.cmpi ne, %convert_element_type3A_579, %cond3A_580 : i32
      scf.if %cond3A_581 {
        %dma_start3A_1087 = arith.constant 0 : i32
        %dma_start3A_1088 = tpu.memref_slice %arg11[%dma_start3A_1087] : memref<256xi32, #tpu.memory_space<vmem>> -> memref<32xi32, #tpu.memory_space<vmem>>
        %dma_start3A_1089 = arith.constant 0 : i32
        %dma_start3A_1090 = arith.constant 0 : i32
        %dma_start3A_1091 = tpu.memref_slice %arg2[%dma_start3A_1089, %dma_start3A_1090] : memref<10000x128xf32, #tpu.memory_space<hbm>> -> memref<10000x128xf32, #tpu.memory_space<hbm>>
        tpu.enqueue_indirect_dma source(%dma_start3A_1091 : memref<10000x128xf32, #tpu.memory_space<hbm>>) target(%arg19 : memref<32x128xf32, #tpu.memory_space<vmem>>) offsets(%dma_start3A_1088 : memref<32xi32, #tpu.memory_space<vmem>>) semaphore(%arg22 : memref<!tpu.dma_semaphore, #tpu.memory_space<semaphore_mem>>)
        %dma_start3A_1092 = arith.constant 32 : i32
        %dma_start3A_1093 = tpu.memref_slice %arg11[%dma_start3A_1092] : memref<256xi32, #tpu.memory_space<vmem>> -> memref<32xi32, #tpu.memory_space<vmem>>
        %dma_start3A_1094 = arith.constant 0 : i32
        %dma_start3A_1095 = arith.constant 0 : i32
        %dma_start3A_1096 = tpu.memref_slice %arg2[%dma_start3A_1094, %dma_start3A_1095] : memref<10000x128xf32, #tpu.memory_space<hbm>> -> memref<10000x128xf32, #tpu.memory_space<hbm>>
        tpu.enqueue_indirect_dma source(%dma_start3A_1096 : memref<10000x128xf32, #tpu.memory_space<hbm>>) target(%arg20 : memref<32x128xf32, #tpu.memory_space<vmem>>) offsets(%dma_start3A_1093 : memref<32xi32, #tpu.memory_space<vmem>>) semaphore(%arg22 : memref<!tpu.dma_semaphore, #tpu.memory_space<semaphore_mem>>)
        %dma_wait3A_1097 = arith.constant 0 : i32
        %dma_wait3A_1098 = tpu.memref_slice %arg11[%dma_wait3A_1097] : memref<256xi32, #tpu.memory_space<vmem>> -> memref<32xi32, #tpu.memory_space<vmem>>
        %dma_wait3A_1099 = arith.constant 0 : i32
        %dma_wait3A_1100 = arith.constant 0 : i32
        %dma_wait3A_1101 = tpu.memref_slice %arg2[%dma_wait3A_1099, %dma_wait3A_1100] : memref<10000x128xf32, #tpu.memory_space<hbm>> -> memref<10000x128xf32, #tpu.memory_space<hbm>>
        tpu.wait_indirect_dma semaphore(%arg22 : memref<!tpu.dma_semaphore, #tpu.memory_space<semaphore_mem>>) src(%dma_wait3A_1101 : memref<10000x128xf32, #tpu.memory_space<hbm>>) dst(%arg19 : memref<32x128xf32, #tpu.memory_space<vmem>>)
        %dma_start3A_1102 = arith.constant 0 : i32
        %dma_start3A_1103 = arith.constant 0 : i32
        %dma_start3A_1104 = tpu.memref_slice %arg9[%dma_start3A_1102, %dma_start3A_1103] : memref<10112x128xf32, #tpu.memory_space<vmem_shared>> -> memref<10112x128xf32, #tpu.memory_space<vmem_shared>>
        tpu.enqueue_indirect_dma source(%arg19 : memref<32x128xf32, #tpu.memory_space<vmem>>) target(%dma_start3A_1104 : memref<10112x128xf32, #tpu.memory_space<vmem_shared>>) offsets(%arg15 : memref<32xi32, #tpu.memory_space<vmem>>) semaphore(%arg23 : memref<!tpu.dma_semaphore, #tpu.memory_space<semaphore_mem>>) {add = true}
        %dma_wait3A_1105 = arith.constant 32 : i32
        %dma_wait3A_1106 = tpu.memref_slice %arg11[%dma_wait3A_1105] : memref<256xi32, #tpu.memory_space<vmem>> -> memref<32xi32, #tpu.memory_space<vmem>>
        %dma_wait3A_1107 = arith.constant 0 : i32
        %dma_wait3A_1108 = arith.constant 0 : i32
        %dma_wait3A_1109 = tpu.memref_slice %arg2[%dma_wait3A_1107, %dma_wait3A_1108] : memref<10000x128xf32, #tpu.memory_space<hbm>> -> memref<10000x128xf32, #tpu.memory_space<hbm>>
        tpu.wait_indirect_dma semaphore(%arg22 : memref<!tpu.dma_semaphore, #tpu.memory_space<semaphore_mem>>) src(%dma_wait3A_1109 : memref<10000x128xf32, #tpu.memory_space<hbm>>) dst(%arg20 : memref<32x128xf32, #tpu.memory_space<vmem>>)
        %dma_start3A_1110 = arith.constant 0 : i32
        %dma_start3A_1111 = arith.constant 0 : i32
        %dma_start3A_1112 = tpu.memref_slice %arg9[%dma_start3A_1110, %dma_start3A_1111] : memref<10112x128xf32, #tpu.memory_space<vmem_shared>> -> memref<10112x128xf32, #tpu.memory_space<vmem_shared>>
        tpu.enqueue_indirect_dma source(%arg20 : memref<32x128xf32, #tpu.memory_space<vmem>>) target(%dma_start3A_1112 : memref<10112x128xf32, #tpu.memory_space<vmem_shared>>) offsets(%arg16 : memref<32xi32, #tpu.memory_space<vmem>>) semaphore(%arg23 : memref<!tpu.dma_semaphore, #tpu.memory_space<semaphore_mem>>) {add = true}
        %dma_wait3A_1113 = arith.constant 0 : i32
        %dma_wait3A_1114 = arith.constant 0 : i32
        %dma_wait3A_1115 = tpu.memref_slice %arg9[%dma_wait3A_1113, %dma_wait3A_1114] : memref<10112x128xf32, #tpu.memory_space<vmem_shared>> -> memref<10112x128xf32, #tpu.memory_space<vmem_shared>>
        tpu.wait_indirect_dma semaphore(%arg23 : memref<!tpu.dma_semaphore, #tpu.memory_space<semaphore_mem>>) src(%arg19 : memref<32x128xf32, #tpu.memory_space<vmem>>) dst(%dma_wait3A_1115 : memref<10112x128xf32, #tpu.memory_space<vmem_shared>>)
        %dma_start3A_1116 = arith.constant 64 : i32
        %dma_start3A_1117 = tpu.memref_slice %arg11[%dma_start3A_1116] : memref<256xi32, #tpu.memory_space<vmem>> -> memref<32xi32, #tpu.memory_space<vmem>>
        %dma_start3A_1118 = arith.constant 0 : i32
        %dma_start3A_1119 = arith.constant 0 : i32
        %dma_start3A_1120 = tpu.memref_slice %arg2[%dma_start3A_1118, %dma_start3A_1119] : memref<10000x128xf32, #tpu.memory_space<hbm>> -> memref<10000x128xf32, #tpu.memory_space<hbm>>
        tpu.enqueue_indirect_dma source(%dma_start3A_1120 : memref<10000x128xf32, #tpu.memory_space<hbm>>) target(%arg19 : memref<32x128xf32, #tpu.memory_space<vmem>>) offsets(%dma_start3A_1117 : memref<32xi32, #tpu.memory_space<vmem>>) semaphore(%arg22 : memref<!tpu.dma_semaphore, #tpu.memory_space<semaphore_mem>>)
        %dma_wait3A_1121 = arith.constant 64 : i32
        %dma_wait3A_1122 = tpu.memref_slice %arg11[%dma_wait3A_1121] : memref<256xi32, #tpu.memory_space<vmem>> -> memref<32xi32, #tpu.memory_space<vmem>>
        %dma_wait3A_1123 = arith.constant 0 : i32
        %dma_wait3A_1124 = arith.constant 0 : i32
        %dma_wait3A_1125 = tpu.memref_slice %arg2[%dma_wait3A_1123, %dma_wait3A_1124] : memref<10000x128xf32, #tpu.memory_space<hbm>> -> memref<10000x128xf32, #tpu.memory_space<hbm>>
        tpu.wait_indirect_dma semaphore(%arg22 : memref<!tpu.dma_semaphore, #tpu.memory_space<semaphore_mem>>) src(%dma_wait3A_1125 : memref<10000x128xf32, #tpu.memory_space<hbm>>) dst(%arg19 : memref<32x128xf32, #tpu.memory_space<vmem>>)
        %dma_start3A_1126 = arith.constant 0 : i32
        %dma_start3A_1127 = arith.constant 0 : i32
        %dma_start3A_1128 = tpu.memref_slice %arg9[%dma_start3A_1126, %dma_start3A_1127] : memref<10112x128xf32, #tpu.memory_space<vmem_shared>> -> memref<10112x128xf32, #tpu.memory_space<vmem_shared>>
        tpu.enqueue_indirect_dma source(%arg19 : memref<32x128xf32, #tpu.memory_space<vmem>>) target(%dma_start3A_1128 : memref<10112x128xf32, #tpu.memory_space<vmem_shared>>) offsets(%arg17 : memref<32xi32, #tpu.memory_space<vmem>>) semaphore(%arg23 : memref<!tpu.dma_semaphore, #tpu.memory_space<semaphore_mem>>) {add = true}
        %dma_wait3A_1129 = arith.constant 0 : i32
        %dma_wait3A_1130 = arith.constant 0 : i32
        %dma_wait3A_1131 = tpu.memref_slice %arg9[%dma_wait3A_1129, %dma_wait3A_1130] : memref<10112x128xf32, #tpu.memory_space<vmem_shared>> -> memref<10112x128xf32, #tpu.memory_space<vmem_shared>>
        tpu.wait_indirect_dma semaphore(%arg23 : memref<!tpu.dma_semaphore, #tpu.memory_space<semaphore_mem>>) src(%arg20 : memref<32x128xf32, #tpu.memory_space<vmem>>) dst(%dma_wait3A_1131 : memref<10112x128xf32, #tpu.memory_space<vmem_shared>>)
        %dma_start3A_1132 = arith.constant 96 : i32
        %dma_start3A_1133 = tpu.memref_slice %arg11[%dma_start3A_1132] : memref<256xi32, #tpu.memory_space<vmem>> -> memref<32xi32, #tpu.memory_space<vmem>>
        %dma_start3A_1134 = arith.constant 0 : i32
        %dma_start3A_1135 = arith.constant 0 : i32
        %dma_start3A_1136 = tpu.memref_slice %arg2[%dma_start3A_1134, %dma_start3A_1135] : memref<10000x128xf32, #tpu.memory_space<hbm>> -> memref<10000x128xf32, #tpu.memory_space<hbm>>
        tpu.enqueue_indirect_dma source(%dma_start3A_1136 : memref<10000x128xf32, #tpu.memory_space<hbm>>) target(%arg20 : memref<32x128xf32, #tpu.memory_space<vmem>>) offsets(%dma_start3A_1133 : memref<32xi32, #tpu.memory_space<vmem>>) semaphore(%arg22 : memref<!tpu.dma_semaphore, #tpu.memory_space<semaphore_mem>>)
        %dma_wait3A_1137 = arith.constant 96 : i32
        %dma_wait3A_1138 = tpu.memref_slice %arg11[%dma_wait3A_1137] : memref<256xi32, #tpu.memory_space<vmem>> -> memref<32xi32, #tpu.memory_space<vmem>>
        %dma_wait3A_1139 = arith.constant 0 : i32
        %dma_wait3A_1140 = arith.constant 0 : i32
        %dma_wait3A_1141 = tpu.memref_slice %arg2[%dma_wait3A_1139, %dma_wait3A_1140] : memref<10000x128xf32, #tpu.memory_space<hbm>> -> memref<10000x128xf32, #tpu.memory_space<hbm>>
        tpu.wait_indirect_dma semaphore(%arg22 : memref<!tpu.dma_semaphore, #tpu.memory_space<semaphore_mem>>) src(%dma_wait3A_1141 : memref<10000x128xf32, #tpu.memory_space<hbm>>) dst(%arg20 : memref<32x128xf32, #tpu.memory_space<vmem>>)
        %dma_start3A_1142 = arith.constant 0 : i32
        %dma_start3A_1143 = arith.constant 0 : i32
        %dma_start3A_1144 = tpu.memref_slice %arg9[%dma_start3A_1142, %dma_start3A_1143] : memref<10112x128xf32, #tpu.memory_space<vmem_shared>> -> memref<10112x128xf32, #tpu.memory_space<vmem_shared>>
        tpu.enqueue_indirect_dma source(%arg20 : memref<32x128xf32, #tpu.memory_space<vmem>>) target(%dma_start3A_1144 : memref<10112x128xf32, #tpu.memory_space<vmem_shared>>) offsets(%arg18 : memref<32xi32, #tpu.memory_space<vmem>>) semaphore(%arg23 : memref<!tpu.dma_semaphore, #tpu.memory_space<semaphore_mem>>) {add = true}
        %dma_wait3A_1145 = arith.constant 0 : i32
        %dma_wait3A_1146 = arith.constant 0 : i32
        %dma_wait3A_1147 = tpu.memref_slice %arg9[%dma_wait3A_1145, %dma_wait3A_1146] : memref<10112x128xf32, #tpu.memory_space<vmem_shared>> -> memref<10112x128xf32, #tpu.memory_space<vmem_shared>>
        tpu.wait_indirect_dma semaphore(%arg23 : memref<!tpu.dma_semaphore, #tpu.memory_space<semaphore_mem>>) src(%arg19 : memref<32x128xf32, #tpu.memory_space<vmem>>) dst(%dma_wait3A_1147 : memref<10112x128xf32, #tpu.memory_space<vmem_shared>>)
        %dma_wait3A_1148 = arith.constant 0 : i32
        %dma_wait3A_1149 = arith.constant 0 : i32
        %dma_wait3A_1150 = tpu.memref_slice %arg9[%dma_wait3A_1148, %dma_wait3A_1149] : memref<10112x128xf32, #tpu.memory_space<vmem_shared>> -> memref<10112x128xf32, #tpu.memory_space<vmem_shared>>
        tpu.wait_indirect_dma semaphore(%arg23 : memref<!tpu.dma_semaphore, #tpu.memory_space<semaphore_mem>>) src(%arg20 : memref<32x128xf32, #tpu.memory_space<vmem>>) dst(%dma_wait3A_1150 : memref<10112x128xf32, #tpu.memory_space<vmem_shared>>)
      } else {
      }
      %mul3A_582 = arith.constant 2 : i32
      %mul3A_583 = arith.muli %mul3A_582, %scan3A_87 : i32
      %add3A_584 = arith.constant 1 : i32
      %add3A_585 = arith.addi %mul3A_583, %add3A_584 : i32
      %mul3A_586 = arith.constant 128 : i32
      %mul3A_587 = arith.muli %add3A_585, %mul3A_586 : i32
      %add3A_588 = arith.addi %mul3A_52, %mul3A_587 : i32
      %multiple_of3A_589 = tpu.assume_multiple %add3A_588, 128 : i32
      %dma_wait3A_590 = arith.constant 0 : i32
      %dma_wait3A_591 = tpu.memref_slice %arg6[%dma_wait3A_590] : memref<40064xf32, #tpu.memory_space<hbm>> -> memref<128xf32, #tpu.memory_space<hbm>>
      %dma_wait3A_592 = arith.constant 0 : i32
      %dma_wait3A_593 = tpu.memref_slice %arg6[%dma_wait3A_592] : memref<40064xf32, #tpu.memory_space<hbm>> -> memref<128xf32, #tpu.memory_space<hbm>>
      tpu.wait_dma2 semaphore(%arg21 : memref<!tpu.dma_semaphore, #tpu.memory_space<semaphore_mem>>) src(%dma_wait3A_593 : memref<128xf32, #tpu.memory_space<hbm>>) dst(%arg14 : memref<128xf32, #tpu.memory_space<vmem>>)
      %dma_wait3A_594 = arith.constant 0 : i32
      %dma_wait3A_595 = tpu.memref_slice %arg6[%dma_wait3A_594] : memref<40064xf32, #tpu.memory_space<hbm>> -> memref<128xf32, #tpu.memory_space<hbm>>
      %dma_wait3A_596 = arith.constant 0 : i32
      %dma_wait3A_597 = tpu.memref_slice %arg6[%dma_wait3A_596] : memref<40064xf32, #tpu.memory_space<hbm>> -> memref<128xf32, #tpu.memory_space<hbm>>
      tpu.wait_dma2 semaphore(%arg21 : memref<!tpu.dma_semaphore, #tpu.memory_space<semaphore_mem>>) src(%dma_wait3A_597 : memref<128xf32, #tpu.memory_space<hbm>>) dst(%arg14 : memref<128xf32, #tpu.memory_space<vmem>>)
      %add3A_598 = arith.constant 1 : i32
      %add3A_599 = arith.addi %add3A_585, %add3A_598 : i32
      %lt3A_600 = arith.constant 158 : i32
      %lt3A_601 = arith.cmpi slt, %add3A_599, %lt3A_600 : i32
      %convert_element_type3A_602 = arith.extui %lt3A_601 : i1 to i32
      %cond3A_603 = arith.constant 0 : i32
      %cond3A_604 = arith.cmpi ne, %convert_element_type3A_602, %cond3A_603 : i32
      scf.if %cond3A_604 {
        %add3A_1087 = arith.constant 128 : i32
        %add3A_1088 = arith.addi %multiple_of3A_589, %add3A_1087 : i32
        %multiple_of3A_1089 = tpu.assume_multiple %add3A_1088, 128 : i32
        %dma_start3A_1090 = arith.constant 0 : i32
        %dma_start3A_1091 = tpu.memref_slice %arg11[%dma_start3A_1090] : memref<256xi32, #tpu.memory_space<vmem>> -> memref<128xi32, #tpu.memory_space<vmem>>
        %dma_start3A_1092 = tpu.memref_slice %arg3[%multiple_of3A_1089] : memref<323584xi32, #tpu.memory_space<hbm>> -> memref<128xi32, #tpu.memory_space<hbm>>
        %dma_start3A_1093 = arith.constant 0 : i32
        %dma_start3A_1094 = tpu.memref_slice %arg11[%dma_start3A_1093] : memref<256xi32, #tpu.memory_space<vmem>> -> memref<128xi32, #tpu.memory_space<vmem>>
        %dma_start3A_1095 = tpu.memref_slice %arg3[%multiple_of3A_1089] : memref<323584xi32, #tpu.memory_space<hbm>> -> memref<128xi32, #tpu.memory_space<hbm>>
        tpu.enqueue_dma source(%dma_start3A_1095 : memref<128xi32, #tpu.memory_space<hbm>>) target(%dma_start3A_1094 : memref<128xi32, #tpu.memory_space<vmem>>) target_semaphore(%arg21 : memref<!tpu.dma_semaphore, #tpu.memory_space<semaphore_mem>>)
        %dma_start3A_1096 = arith.constant 0 : i32
        %dma_start3A_1097 = tpu.memref_slice %arg12[%dma_start3A_1096] : memref<256xi32, #tpu.memory_space<vmem>> -> memref<128xi32, #tpu.memory_space<vmem>>
        %dma_start3A_1098 = tpu.memref_slice %arg4[%multiple_of3A_1089] : memref<323584xi32, #tpu.memory_space<hbm>> -> memref<128xi32, #tpu.memory_space<hbm>>
        %dma_start3A_1099 = arith.constant 0 : i32
        %dma_start3A_1100 = tpu.memref_slice %arg12[%dma_start3A_1099] : memref<256xi32, #tpu.memory_space<vmem>> -> memref<128xi32, #tpu.memory_space<vmem>>
        %dma_start3A_1101 = tpu.memref_slice %arg4[%multiple_of3A_1089] : memref<323584xi32, #tpu.memory_space<hbm>> -> memref<128xi32, #tpu.memory_space<hbm>>
        tpu.enqueue_dma source(%dma_start3A_1101 : memref<128xi32, #tpu.memory_space<hbm>>) target(%dma_start3A_1100 : memref<128xi32, #tpu.memory_space<vmem>>) target_semaphore(%arg21 : memref<!tpu.dma_semaphore, #tpu.memory_space<semaphore_mem>>)
      } else {
      }
      %ge3A_605 = arith.constant 2 : i32
      %ge3A_606 = arith.cmpi sge, %add3A_585, %ge3A_605 : i32
      %convert_element_type3A_607 = arith.extui %ge3A_606 : i1 to i32
      %cond3A_608 = arith.constant 0 : i32
      %cond3A_609 = arith.cmpi ne, %convert_element_type3A_607, %cond3A_608 : i32
      scf.if %cond3A_609 {
        %dma_wait3A_1087 = arith.constant 0 : i32
        %dma_wait3A_1088 = tpu.memref_slice %arg6[%dma_wait3A_1087] : memref<40064xf32, #tpu.memory_space<hbm>> -> memref<128xf32, #tpu.memory_space<hbm>>
        %dma_wait3A_1089 = arith.constant 0 : i32
        %dma_wait3A_1090 = tpu.memref_slice %arg6[%dma_wait3A_1089] : memref<40064xf32, #tpu.memory_space<hbm>> -> memref<128xf32, #tpu.memory_space<hbm>>
        tpu.wait_dma2 semaphore(%arg24 : memref<!tpu.dma_semaphore, #tpu.memory_space<semaphore_mem>>) src(%dma_wait3A_1090 : memref<128xf32, #tpu.memory_space<hbm>>) dst(%arg14 : memref<128xf32, #tpu.memory_space<vmem>>)
      } else {
      }
      %ge3A_610 = arith.constant 2 : i32
      %ge3A_611 = arith.cmpi sge, %add3A_585, %ge3A_610 : i32
      %eq3A_612 = arith.constant 1 : i32
      %eq3A_613 = arith.cmpi eq, %arg0, %eq3A_612 : i32
      %and3A_614 = arith.andi %ge3A_611, %eq3A_613 : i1
      %convert_element_type3A_615 = arith.extui %and3A_614 : i1 to i32
      %cond3A_616 = arith.constant 0 : i32
      %cond3A_617 = arith.cmpi ne, %convert_element_type3A_615, %cond3A_616 : i32
      scf.if %cond3A_617 {
        %dma_wait3A_1087 = arith.constant 0 : i32
        %dma_wait3A_1088 = tpu.memref_slice %arg6[%dma_wait3A_1087] : memref<40064xf32, #tpu.memory_space<hbm>> -> memref<128xf32, #tpu.memory_space<hbm>>
        %dma_wait3A_1089 = arith.constant 0 : i32
        %dma_wait3A_1090 = tpu.memref_slice %arg6[%dma_wait3A_1089] : memref<40064xf32, #tpu.memory_space<hbm>> -> memref<128xf32, #tpu.memory_space<hbm>>
        tpu.wait_dma2 semaphore(%arg24 : memref<!tpu.dma_semaphore, #tpu.memory_space<semaphore_mem>>) src(%dma_wait3A_1090 : memref<128xf32, #tpu.memory_space<hbm>>) dst(%arg14 : memref<128xf32, #tpu.memory_space<vmem>>)
      } else {
      }
      %get3A_618 = arith.constant 128 : index
      %get3A_619 = tpu.vector_load %arg12[%get3A_618] {strides = array<i32>} : memref<256xi32, #tpu.memory_space<vmem>>, vector<16xi32>,
      %get3A_620 = vector.shape_cast %get3A_619 : vector<16xi32> to vector<16xi32>
      %shift_right_arithmetic3A_621 = arith.constant 10 : i32
      %shift_right_arithmetic3A_622 = vector.broadcast %shift_right_arithmetic3A_621 : i32 to vector<16xi32>
      %shift_right_arithmetic3A_623 = arith.shrsi %get3A_620, %shift_right_arithmetic3A_622 : vector<16xi32>
      %and3A_624 = arith.constant 1023 : i32
      %and3A_625 = vector.broadcast %and3A_624 : i32 to vector<16xi32>
      %and3A_626 = arith.andi %get3A_620, %and3A_625 : vector<16xi32>
      %and3A_627 = arith.constant 127 : i32
      %and3A_628 = vector.broadcast %and3A_627 : i32 to vector<16xi32>
      %and3A_629 = arith.andi %and3A_626, %and3A_628 : vector<16xi32>
      %shift_right_arithmetic3A_630 = arith.constant 7 : i32
      %shift_right_arithmetic3A_631 = vector.broadcast %shift_right_arithmetic3A_630 : i32 to vector<16xi32>
      %shift_right_arithmetic3A_632 = arith.shrsi %and3A_626, %shift_right_arithmetic3A_631 : vector<16xi32>
      %mul3A_633 = arith.constant 64 : i32
      %mul3A_634 = vector.broadcast %mul3A_633 : i32 to vector<16xi32>
      %mul3A_635 = arith.muli %shift_right_arithmetic3A_623, %mul3A_634 : vector<16xi32>
      %ge3A_636 = vector.broadcast %mul3A_50 : i32 to vector<16xi32>
      %ge3A_637 = arith.cmpi sge, %and3A_629, %ge3A_636 : vector<16xi32>
      %add3A_638 = arith.constant 64 : i32
      %add3A_639 = arith.addi %mul3A_50, %add3A_638 : i32
      %lt3A_640 = vector.broadcast %add3A_639 : i32 to vector<16xi32>
      %lt3A_641 = arith.cmpi slt, %and3A_629, %lt3A_640 : vector<16xi32>
      %and3A_642 = arith.andi %ge3A_637, %lt3A_641 : vector<16xi1>
      %sub3A_643 = vector.broadcast %mul3A_50 : i32 to vector<16xi32>
      %sub3A_644 = arith.subi %and3A_629, %sub3A_643 : vector<16xi32>
      %add3A_645 = arith.addi %mul3A_635, %sub3A_644 : vector<16xi32>
      %add3A_646 = arith.addi %mul3A_635, %and3A_629 : vector<16xi32>
      %and3A_647 = arith.constant 1023 : i32
      %and3A_648 = vector.broadcast %and3A_647 : i32 to vector<16xi32>
      %and3A_649 = arith.andi %add3A_646, %and3A_648 : vector<16xi32>
      %add3A_650 = arith.constant 640000 : i32
      %add3A_651 = vector.broadcast %add3A_650 : i32 to vector<16xi32>
      %add3A_652 = arith.addi %add3A_651, %and3A_649 : vector<16xi32>
      %select_n3A_653 = arith.select %and3A_642, %add3A_645, %add3A_652 : vector<16xi1>, vector<16xi32>
      %swap3A_654 = arith.constant 2 : i32
      %swap3A_655 = arith.index_cast %swap3A_654 : i32 to index
      %swap3A_656 = arith.constant 0 : index
      %swap3A_657 = tpu.vector_load %arg13[%swap3A_655, %swap3A_656] {strides = array<i32>} : memref<4x128xi32, #tpu.memory_space<vmem>>, vector<1x16xi32>,
      %swap3A_658 = vector.shape_cast %swap3A_657 : vector<1x16xi32> to vector<16xi32>
      %swap3A_659 = vector.shape_cast %select_n3A_653 : vector<16xi32> to vector<1x16xi32>
      tpu.vector_store %arg13[%swap3A_655, %swap3A_656], %swap3A_659 {strides = array<i32>} : memref<4x128xi32, #tpu.memory_space<vmem>>, vector<1x16xi32>,
      %add3A_660 = arith.constant 56 : i32
      %add3A_661 = vector.broadcast %add3A_660 : i32 to vector<16xi32>
      %add3A_662 = arith.addi %add3A_661, %shift_right_arithmetic3A_632 : vector<16xi32>
      %add3A_663 = arith.addi %mul3A_635, %add3A_662 : vector<16xi32>
      %swap3A_664 = arith.constant 3 : i32
      %swap3A_665 = arith.index_cast %swap3A_664 : i32 to index
      %swap3A_666 = arith.constant 0 : index
      %swap3A_667 = tpu.vector_load %arg13[%swap3A_665, %swap3A_666] {strides = array<i32>} : memref<4x128xi32, #tpu.memory_space<vmem>>, vector<1x16xi32>,
      %swap3A_668 = vector.shape_cast %swap3A_667 : vector<1x16xi32> to vector<16xi32>
      %swap3A_669 = vector.shape_cast %add3A_663 : vector<16xi32> to vector<1x16xi32>
      tpu.vector_store %arg13[%swap3A_665, %swap3A_666], %swap3A_669 {strides = array<i32>} : memref<4x128xi32, #tpu.memory_space<vmem>>, vector<1x16xi32>,
      %swap3A_670 = arith.constant 0 : index
      %swap3A_671 = tpu.vector_load %arg15[%swap3A_670] {strides = array<i32>} : memref<32xi32, #tpu.memory_space<vmem>>, vector<16xi32>,
      %swap3A_672 = vector.shape_cast %swap3A_671 : vector<16xi32> to vector<16xi32>
      %swap3A_673 = vector.shape_cast %shift_right_arithmetic3A_623 : vector<16xi32> to vector<16xi32>
      tpu.vector_store %arg15[%swap3A_670], %swap3A_673 {strides = array<i32>} : memref<32xi32, #tpu.memory_space<vmem>>, vector<16xi32>,
      %get3A_674 = arith.constant 144 : index
      %get3A_675 = tpu.vector_load %arg12[%get3A_674] {strides = array<i32>} : memref<256xi32, #tpu.memory_space<vmem>>, vector<16xi32>,
      %get3A_676 = vector.shape_cast %get3A_675 : vector<16xi32> to vector<16xi32>
      %shift_right_arithmetic3A_677 = arith.constant 10 : i32
      %shift_right_arithmetic3A_678 = vector.broadcast %shift_right_arithmetic3A_677 : i32 to vector<16xi32>
      %shift_right_arithmetic3A_679 = arith.shrsi %get3A_676, %shift_right_arithmetic3A_678 : vector<16xi32>
      %and3A_680 = arith.constant 1023 : i32
      %and3A_681 = vector.broadcast %and3A_680 : i32 to vector<16xi32>
      %and3A_682 = arith.andi %get3A_676, %and3A_681 : vector<16xi32>
      %and3A_683 = arith.constant 127 : i32
      %and3A_684 = vector.broadcast %and3A_683 : i32 to vector<16xi32>
      %and3A_685 = arith.andi %and3A_682, %and3A_684 : vector<16xi32>
      %shift_right_arithmetic3A_686 = arith.constant 7 : i32
      %shift_right_arithmetic3A_687 = vector.broadcast %shift_right_arithmetic3A_686 : i32 to vector<16xi32>
      %shift_right_arithmetic3A_688 = arith.shrsi %and3A_682, %shift_right_arithmetic3A_687 : vector<16xi32>
      %mul3A_689 = arith.constant 64 : i32
      %mul3A_690 = vector.broadcast %mul3A_689 : i32 to vector<16xi32>
      %mul3A_691 = arith.muli %shift_right_arithmetic3A_679, %mul3A_690 : vector<16xi32>
      %ge3A_692 = vector.broadcast %mul3A_50 : i32 to vector<16xi32>
      %ge3A_693 = arith.cmpi sge, %and3A_685, %ge3A_692 : vector<16xi32>
      %add3A_694 = arith.constant 64 : i32
      %add3A_695 = arith.addi %mul3A_50, %add3A_694 : i32
      %lt3A_696 = vector.broadcast %add3A_695 : i32 to vector<16xi32>
      %lt3A_697 = arith.cmpi slt, %and3A_685, %lt3A_696 : vector<16xi32>
      %and3A_698 = arith.andi %ge3A_693, %lt3A_697 : vector<16xi1>
      %sub3A_699 = vector.broadcast %mul3A_50 : i32 to vector<16xi32>
      %sub3A_700 = arith.subi %and3A_685, %sub3A_699 : vector<16xi32>
      %add3A_701 = arith.addi %mul3A_691, %sub3A_700 : vector<16xi32>
      %add3A_702 = arith.addi %mul3A_691, %and3A_685 : vector<16xi32>
      %and3A_703 = arith.constant 1023 : i32
      %and3A_704 = vector.broadcast %and3A_703 : i32 to vector<16xi32>
      %and3A_705 = arith.andi %add3A_702, %and3A_704 : vector<16xi32>
      %add3A_706 = arith.constant 640000 : i32
      %add3A_707 = vector.broadcast %add3A_706 : i32 to vector<16xi32>
      %add3A_708 = arith.addi %add3A_707, %and3A_705 : vector<16xi32>
      %select_n3A_709 = arith.select %and3A_698, %add3A_701, %add3A_708 : vector<16xi1>, vector<16xi32>
      %swap3A_710 = arith.constant 2 : i32
      %swap3A_711 = arith.index_cast %swap3A_710 : i32 to index
      %swap3A_712 = arith.constant 16 : index
      %swap3A_713 = tpu.vector_load %arg13[%swap3A_711, %swap3A_712] {strides = array<i32>} : memref<4x128xi32, #tpu.memory_space<vmem>>, vector<1x16xi32>,
      %swap3A_714 = vector.shape_cast %swap3A_713 : vector<1x16xi32> to vector<16xi32>
      %swap3A_715 = vector.shape_cast %select_n3A_709 : vector<16xi32> to vector<1x16xi32>
      tpu.vector_store %arg13[%swap3A_711, %swap3A_712], %swap3A_715 {strides = array<i32>} : memref<4x128xi32, #tpu.memory_space<vmem>>, vector<1x16xi32>,
      %add3A_716 = arith.constant 56 : i32
      %add3A_717 = vector.broadcast %add3A_716 : i32 to vector<16xi32>
      %add3A_718 = arith.addi %add3A_717, %shift_right_arithmetic3A_688 : vector<16xi32>
      %add3A_719 = arith.addi %mul3A_691, %add3A_718 : vector<16xi32>
      %swap3A_720 = arith.constant 3 : i32
      %swap3A_721 = arith.index_cast %swap3A_720 : i32 to index
      %swap3A_722 = arith.constant 16 : index
      %swap3A_723 = tpu.vector_load %arg13[%swap3A_721, %swap3A_722] {strides = array<i32>} : memref<4x128xi32, #tpu.memory_space<vmem>>, vector<1x16xi32>,
      %swap3A_724 = vector.shape_cast %swap3A_723 : vector<1x16xi32> to vector<16xi32>
      %swap3A_725 = vector.shape_cast %add3A_719 : vector<16xi32> to vector<1x16xi32>
      tpu.vector_store %arg13[%swap3A_721, %swap3A_722], %swap3A_725 {strides = array<i32>} : memref<4x128xi32, #tpu.memory_space<vmem>>, vector<1x16xi32>,
      %swap3A_726 = arith.constant 16 : index
      %swap3A_727 = tpu.vector_load %arg15[%swap3A_726] {strides = array<i32>} : memref<32xi32, #tpu.memory_space<vmem>>, vector<16xi32>,
      %swap3A_728 = vector.shape_cast %swap3A_727 : vector<16xi32> to vector<16xi32>
      %swap3A_729 = vector.shape_cast %shift_right_arithmetic3A_679 : vector<16xi32> to vector<16xi32>
      tpu.vector_store %arg15[%swap3A_726], %swap3A_729 {strides = array<i32>} : memref<32xi32, #tpu.memory_space<vmem>>, vector<16xi32>,
      %get3A_730 = arith.constant 160 : index
      %get3A_731 = tpu.vector_load %arg12[%get3A_730] {strides = array<i32>} : memref<256xi32, #tpu.memory_space<vmem>>, vector<16xi32>,
      %get3A_732 = vector.shape_cast %get3A_731 : vector<16xi32> to vector<16xi32>
      %shift_right_arithmetic3A_733 = arith.constant 10 : i32
      %shift_right_arithmetic3A_734 = vector.broadcast %shift_right_arithmetic3A_733 : i32 to vector<16xi32>
      %shift_right_arithmetic3A_735 = arith.shrsi %get3A_732, %shift_right_arithmetic3A_734 : vector<16xi32>
      %and3A_736 = arith.constant 1023 : i32
      %and3A_737 = vector.broadcast %and3A_736 : i32 to vector<16xi32>
      %and3A_738 = arith.andi %get3A_732, %and3A_737 : vector<16xi32>
      %and3A_739 = arith.constant 127 : i32
      %and3A_740 = vector.broadcast %and3A_739 : i32 to vector<16xi32>
      %and3A_741 = arith.andi %and3A_738, %and3A_740 : vector<16xi32>
      %shift_right_arithmetic3A_742 = arith.constant 7 : i32
      %shift_right_arithmetic3A_743 = vector.broadcast %shift_right_arithmetic3A_742 : i32 to vector<16xi32>
      %shift_right_arithmetic3A_744 = arith.shrsi %and3A_738, %shift_right_arithmetic3A_743 : vector<16xi32>
      %mul3A_745 = arith.constant 64 : i32
      %mul3A_746 = vector.broadcast %mul3A_745 : i32 to vector<16xi32>
      %mul3A_747 = arith.muli %shift_right_arithmetic3A_735, %mul3A_746 : vector<16xi32>
      %ge3A_748 = vector.broadcast %mul3A_50 : i32 to vector<16xi32>
      %ge3A_749 = arith.cmpi sge, %and3A_741, %ge3A_748 : vector<16xi32>
      %add3A_750 = arith.constant 64 : i32
      %add3A_751 = arith.addi %mul3A_50, %add3A_750 : i32
      %lt3A_752 = vector.broadcast %add3A_751 : i32 to vector<16xi32>
      %lt3A_753 = arith.cmpi slt, %and3A_741, %lt3A_752 : vector<16xi32>
      %and3A_754 = arith.andi %ge3A_749, %lt3A_753 : vector<16xi1>
      %sub3A_755 = vector.broadcast %mul3A_50 : i32 to vector<16xi32>
      %sub3A_756 = arith.subi %and3A_741, %sub3A_755 : vector<16xi32>
      %add3A_757 = arith.addi %mul3A_747, %sub3A_756 : vector<16xi32>
      %add3A_758 = arith.addi %mul3A_747, %and3A_741 : vector<16xi32>
      %and3A_759 = arith.constant 1023 : i32
      %and3A_760 = vector.broadcast %and3A_759 : i32 to vector<16xi32>
      %and3A_761 = arith.andi %add3A_758, %and3A_760 : vector<16xi32>
      %add3A_762 = arith.constant 640000 : i32
      %add3A_763 = vector.broadcast %add3A_762 : i32 to vector<16xi32>
      %add3A_764 = arith.addi %add3A_763, %and3A_761 : vector<16xi32>
      %select_n3A_765 = arith.select %and3A_754, %add3A_757, %add3A_764 : vector<16xi1>, vector<16xi32>
      %swap3A_766 = arith.constant 2 : i32
      %swap3A_767 = arith.index_cast %swap3A_766 : i32 to index
      %swap3A_768 = arith.constant 32 : index
      %swap3A_769 = tpu.vector_load %arg13[%swap3A_767, %swap3A_768] {strides = array<i32>} : memref<4x128xi32, #tpu.memory_space<vmem>>, vector<1x16xi32>,
      %swap3A_770 = vector.shape_cast %swap3A_769 : vector<1x16xi32> to vector<16xi32>
      %swap3A_771 = vector.shape_cast %select_n3A_765 : vector<16xi32> to vector<1x16xi32>
      tpu.vector_store %arg13[%swap3A_767, %swap3A_768], %swap3A_771 {strides = array<i32>} : memref<4x128xi32, #tpu.memory_space<vmem>>, vector<1x16xi32>,
      %add3A_772 = arith.constant 56 : i32
      %add3A_773 = vector.broadcast %add3A_772 : i32 to vector<16xi32>
      %add3A_774 = arith.addi %add3A_773, %shift_right_arithmetic3A_744 : vector<16xi32>
      %add3A_775 = arith.addi %mul3A_747, %add3A_774 : vector<16xi32>
      %swap3A_776 = arith.constant 3 : i32
      %swap3A_777 = arith.index_cast %swap3A_776 : i32 to index
      %swap3A_778 = arith.constant 32 : index
      %swap3A_779 = tpu.vector_load %arg13[%swap3A_777, %swap3A_778] {strides = array<i32>} : memref<4x128xi32, #tpu.memory_space<vmem>>, vector<1x16xi32>,
      %swap3A_780 = vector.shape_cast %swap3A_779 : vector<1x16xi32> to vector<16xi32>
      %swap3A_781 = vector.shape_cast %add3A_775 : vector<16xi32> to vector<1x16xi32>
      tpu.vector_store %arg13[%swap3A_777, %swap3A_778], %swap3A_781 {strides = array<i32>} : memref<4x128xi32, #tpu.memory_space<vmem>>, vector<1x16xi32>,
      %swap3A_782 = arith.constant 0 : index
      %swap3A_783 = tpu.vector_load %arg16[%swap3A_782] {strides = array<i32>} : memref<32xi32, #tpu.memory_space<vmem>>, vector<16xi32>,
      %swap3A_784 = vector.shape_cast %swap3A_783 : vector<16xi32> to vector<16xi32>
      %swap3A_785 = vector.shape_cast %shift_right_arithmetic3A_735 : vector<16xi32> to vector<16xi32>
      tpu.vector_store %arg16[%swap3A_782], %swap3A_785 {strides = array<i32>} : memref<32xi32, #tpu.memory_space<vmem>>, vector<16xi32>,
      %get3A_786 = arith.constant 176 : index
      %get3A_787 = tpu.vector_load %arg12[%get3A_786] {strides = array<i32>} : memref<256xi32, #tpu.memory_space<vmem>>, vector<16xi32>,
      %get3A_788 = vector.shape_cast %get3A_787 : vector<16xi32> to vector<16xi32>
      %shift_right_arithmetic3A_789 = arith.constant 10 : i32
      %shift_right_arithmetic3A_790 = vector.broadcast %shift_right_arithmetic3A_789 : i32 to vector<16xi32>
      %shift_right_arithmetic3A_791 = arith.shrsi %get3A_788, %shift_right_arithmetic3A_790 : vector<16xi32>
      %and3A_792 = arith.constant 1023 : i32
      %and3A_793 = vector.broadcast %and3A_792 : i32 to vector<16xi32>
      %and3A_794 = arith.andi %get3A_788, %and3A_793 : vector<16xi32>
      %and3A_795 = arith.constant 127 : i32
      %and3A_796 = vector.broadcast %and3A_795 : i32 to vector<16xi32>
      %and3A_797 = arith.andi %and3A_794, %and3A_796 : vector<16xi32>
      %shift_right_arithmetic3A_798 = arith.constant 7 : i32
      %shift_right_arithmetic3A_799 = vector.broadcast %shift_right_arithmetic3A_798 : i32 to vector<16xi32>
      %shift_right_arithmetic3A_800 = arith.shrsi %and3A_794, %shift_right_arithmetic3A_799 : vector<16xi32>
      %mul3A_801 = arith.constant 64 : i32
      %mul3A_802 = vector.broadcast %mul3A_801 : i32 to vector<16xi32>
      %mul3A_803 = arith.muli %shift_right_arithmetic3A_791, %mul3A_802 : vector<16xi32>
      %ge3A_804 = vector.broadcast %mul3A_50 : i32 to vector<16xi32>
      %ge3A_805 = arith.cmpi sge, %and3A_797, %ge3A_804 : vector<16xi32>
      %add3A_806 = arith.constant 64 : i32
      %add3A_807 = arith.addi %mul3A_50, %add3A_806 : i32
      %lt3A_808 = vector.broadcast %add3A_807 : i32 to vector<16xi32>
      %lt3A_809 = arith.cmpi slt, %and3A_797, %lt3A_808 : vector<16xi32>
      %and3A_810 = arith.andi %ge3A_805, %lt3A_809 : vector<16xi1>
      %sub3A_811 = vector.broadcast %mul3A_50 : i32 to vector<16xi32>
      %sub3A_812 = arith.subi %and3A_797, %sub3A_811 : vector<16xi32>
      %add3A_813 = arith.addi %mul3A_803, %sub3A_812 : vector<16xi32>
      %add3A_814 = arith.addi %mul3A_803, %and3A_797 : vector<16xi32>
      %and3A_815 = arith.constant 1023 : i32
      %and3A_816 = vector.broadcast %and3A_815 : i32 to vector<16xi32>
      %and3A_817 = arith.andi %add3A_814, %and3A_816 : vector<16xi32>
      %add3A_818 = arith.constant 640000 : i32
      %add3A_819 = vector.broadcast %add3A_818 : i32 to vector<16xi32>
      %add3A_820 = arith.addi %add3A_819, %and3A_817 : vector<16xi32>
      %select_n3A_821 = arith.select %and3A_810, %add3A_813, %add3A_820 : vector<16xi1>, vector<16xi32>
      %swap3A_822 = arith.constant 2 : i32
      %swap3A_823 = arith.index_cast %swap3A_822 : i32 to index
      %swap3A_824 = arith.constant 48 : index
      %swap3A_825 = tpu.vector_load %arg13[%swap3A_823, %swap3A_824] {strides = array<i32>} : memref<4x128xi32, #tpu.memory_space<vmem>>, vector<1x16xi32>,
      %swap3A_826 = vector.shape_cast %swap3A_825 : vector<1x16xi32> to vector<16xi32>
      %swap3A_827 = vector.shape_cast %select_n3A_821 : vector<16xi32> to vector<1x16xi32>
      tpu.vector_store %arg13[%swap3A_823, %swap3A_824], %swap3A_827 {strides = array<i32>} : memref<4x128xi32, #tpu.memory_space<vmem>>, vector<1x16xi32>,
      %add3A_828 = arith.constant 56 : i32
      %add3A_829 = vector.broadcast %add3A_828 : i32 to vector<16xi32>
      %add3A_830 = arith.addi %add3A_829, %shift_right_arithmetic3A_800 : vector<16xi32>
      %add3A_831 = arith.addi %mul3A_803, %add3A_830 : vector<16xi32>
      %swap3A_832 = arith.constant 3 : i32
      %swap3A_833 = arith.index_cast %swap3A_832 : i32 to index
      %swap3A_834 = arith.constant 48 : index
      %swap3A_835 = tpu.vector_load %arg13[%swap3A_833, %swap3A_834] {strides = array<i32>} : memref<4x128xi32, #tpu.memory_space<vmem>>, vector<1x16xi32>,
      %swap3A_836 = vector.shape_cast %swap3A_835 : vector<1x16xi32> to vector<16xi32>
      %swap3A_837 = vector.shape_cast %add3A_831 : vector<16xi32> to vector<1x16xi32>
      tpu.vector_store %arg13[%swap3A_833, %swap3A_834], %swap3A_837 {strides = array<i32>} : memref<4x128xi32, #tpu.memory_space<vmem>>, vector<1x16xi32>,
      %swap3A_838 = arith.constant 16 : index
      %swap3A_839 = tpu.vector_load %arg16[%swap3A_838] {strides = array<i32>} : memref<32xi32, #tpu.memory_space<vmem>>, vector<16xi32>,
      %swap3A_840 = vector.shape_cast %swap3A_839 : vector<16xi32> to vector<16xi32>
      %swap3A_841 = vector.shape_cast %shift_right_arithmetic3A_791 : vector<16xi32> to vector<16xi32>
      tpu.vector_store %arg16[%swap3A_838], %swap3A_841 {strides = array<i32>} : memref<32xi32, #tpu.memory_space<vmem>>, vector<16xi32>,
      %get3A_842 = arith.constant 192 : index
      %get3A_843 = tpu.vector_load %arg12[%get3A_842] {strides = array<i32>} : memref<256xi32, #tpu.memory_space<vmem>>, vector<16xi32>,
      %get3A_844 = vector.shape_cast %get3A_843 : vector<16xi32> to vector<16xi32>
      %shift_right_arithmetic3A_845 = arith.constant 10 : i32
      %shift_right_arithmetic3A_846 = vector.broadcast %shift_right_arithmetic3A_845 : i32 to vector<16xi32>
      %shift_right_arithmetic3A_847 = arith.shrsi %get3A_844, %shift_right_arithmetic3A_846 : vector<16xi32>
      %and3A_848 = arith.constant 1023 : i32
      %and3A_849 = vector.broadcast %and3A_848 : i32 to vector<16xi32>
      %and3A_850 = arith.andi %get3A_844, %and3A_849 : vector<16xi32>
      %and3A_851 = arith.constant 127 : i32
      %and3A_852 = vector.broadcast %and3A_851 : i32 to vector<16xi32>
      %and3A_853 = arith.andi %and3A_850, %and3A_852 : vector<16xi32>
      %shift_right_arithmetic3A_854 = arith.constant 7 : i32
      %shift_right_arithmetic3A_855 = vector.broadcast %shift_right_arithmetic3A_854 : i32 to vector<16xi32>
      %shift_right_arithmetic3A_856 = arith.shrsi %and3A_850, %shift_right_arithmetic3A_855 : vector<16xi32>
      %mul3A_857 = arith.constant 64 : i32
      %mul3A_858 = vector.broadcast %mul3A_857 : i32 to vector<16xi32>
      %mul3A_859 = arith.muli %shift_right_arithmetic3A_847, %mul3A_858 : vector<16xi32>
      %ge3A_860 = vector.broadcast %mul3A_50 : i32 to vector<16xi32>
      %ge3A_861 = arith.cmpi sge, %and3A_853, %ge3A_860 : vector<16xi32>
      %add3A_862 = arith.constant 64 : i32
      %add3A_863 = arith.addi %mul3A_50, %add3A_862 : i32
      %lt3A_864 = vector.broadcast %add3A_863 : i32 to vector<16xi32>
      %lt3A_865 = arith.cmpi slt, %and3A_853, %lt3A_864 : vector<16xi32>
      %and3A_866 = arith.andi %ge3A_861, %lt3A_865 : vector<16xi1>
      %sub3A_867 = vector.broadcast %mul3A_50 : i32 to vector<16xi32>
      %sub3A_868 = arith.subi %and3A_853, %sub3A_867 : vector<16xi32>
      %add3A_869 = arith.addi %mul3A_859, %sub3A_868 : vector<16xi32>
      %add3A_870 = arith.addi %mul3A_859, %and3A_853 : vector<16xi32>
      %and3A_871 = arith.constant 1023 : i32
      %and3A_872 = vector.broadcast %and3A_871 : i32 to vector<16xi32>
      %and3A_873 = arith.andi %add3A_870, %and3A_872 : vector<16xi32>
      %add3A_874 = arith.constant 640000 : i32
      %add3A_875 = vector.broadcast %add3A_874 : i32 to vector<16xi32>
      %add3A_876 = arith.addi %add3A_875, %and3A_873 : vector<16xi32>
      %select_n3A_877 = arith.select %and3A_866, %add3A_869, %add3A_876 : vector<16xi1>, vector<16xi32>
      %swap3A_878 = arith.constant 2 : i32
      %swap3A_879 = arith.index_cast %swap3A_878 : i32 to index
      %swap3A_880 = arith.constant 64 : index
      %swap3A_881 = tpu.vector_load %arg13[%swap3A_879, %swap3A_880] {strides = array<i32>} : memref<4x128xi32, #tpu.memory_space<vmem>>, vector<1x16xi32>,
      %swap3A_882 = vector.shape_cast %swap3A_881 : vector<1x16xi32> to vector<16xi32>
      %swap3A_883 = vector.shape_cast %select_n3A_877 : vector<16xi32> to vector<1x16xi32>
      tpu.vector_store %arg13[%swap3A_879, %swap3A_880], %swap3A_883 {strides = array<i32>} : memref<4x128xi32, #tpu.memory_space<vmem>>, vector<1x16xi32>,
      %add3A_884 = arith.constant 56 : i32
      %add3A_885 = vector.broadcast %add3A_884 : i32 to vector<16xi32>
      %add3A_886 = arith.addi %add3A_885, %shift_right_arithmetic3A_856 : vector<16xi32>
      %add3A_887 = arith.addi %mul3A_859, %add3A_886 : vector<16xi32>
      %swap3A_888 = arith.constant 3 : i32
      %swap3A_889 = arith.index_cast %swap3A_888 : i32 to index
      %swap3A_890 = arith.constant 64 : index
      %swap3A_891 = tpu.vector_load %arg13[%swap3A_889, %swap3A_890] {strides = array<i32>} : memref<4x128xi32, #tpu.memory_space<vmem>>, vector<1x16xi32>,
      %swap3A_892 = vector.shape_cast %swap3A_891 : vector<1x16xi32> to vector<16xi32>
      %swap3A_893 = vector.shape_cast %add3A_887 : vector<16xi32> to vector<1x16xi32>
      tpu.vector_store %arg13[%swap3A_889, %swap3A_890], %swap3A_893 {strides = array<i32>} : memref<4x128xi32, #tpu.memory_space<vmem>>, vector<1x16xi32>,
      %swap3A_894 = arith.constant 0 : index
      %swap3A_895 = tpu.vector_load %arg17[%swap3A_894] {strides = array<i32>} : memref<32xi32, #tpu.memory_space<vmem>>, vector<16xi32>,
      %swap3A_896 = vector.shape_cast %swap3A_895 : vector<16xi32> to vector<16xi32>
      %swap3A_897 = vector.shape_cast %shift_right_arithmetic3A_847 : vector<16xi32> to vector<16xi32>
      tpu.vector_store %arg17[%swap3A_894], %swap3A_897 {strides = array<i32>} : memref<32xi32, #tpu.memory_space<vmem>>, vector<16xi32>,
      %get3A_898 = arith.constant 208 : index
      %get3A_899 = tpu.vector_load %arg12[%get3A_898] {strides = array<i32>} : memref<256xi32, #tpu.memory_space<vmem>>, vector<16xi32>,
      %get3A_900 = vector.shape_cast %get3A_899 : vector<16xi32> to vector<16xi32>
      %shift_right_arithmetic3A_901 = arith.constant 10 : i32
      %shift_right_arithmetic3A_902 = vector.broadcast %shift_right_arithmetic3A_901 : i32 to vector<16xi32>
      %shift_right_arithmetic3A_903 = arith.shrsi %get3A_900, %shift_right_arithmetic3A_902 : vector<16xi32>
      %and3A_904 = arith.constant 1023 : i32
      %and3A_905 = vector.broadcast %and3A_904 : i32 to vector<16xi32>
      %and3A_906 = arith.andi %get3A_900, %and3A_905 : vector<16xi32>
      %and3A_907 = arith.constant 127 : i32
      %and3A_908 = vector.broadcast %and3A_907 : i32 to vector<16xi32>
      %and3A_909 = arith.andi %and3A_906, %and3A_908 : vector<16xi32>
      %shift_right_arithmetic3A_910 = arith.constant 7 : i32
      %shift_right_arithmetic3A_911 = vector.broadcast %shift_right_arithmetic3A_910 : i32 to vector<16xi32>
      %shift_right_arithmetic3A_912 = arith.shrsi %and3A_906, %shift_right_arithmetic3A_911 : vector<16xi32>
      %mul3A_913 = arith.constant 64 : i32
      %mul3A_914 = vector.broadcast %mul3A_913 : i32 to vector<16xi32>
      %mul3A_915 = arith.muli %shift_right_arithmetic3A_903, %mul3A_914 : vector<16xi32>
      %ge3A_916 = vector.broadcast %mul3A_50 : i32 to vector<16xi32>
      %ge3A_917 = arith.cmpi sge, %and3A_909, %ge3A_916 : vector<16xi32>
      %add3A_918 = arith.constant 64 : i32
      %add3A_919 = arith.addi %mul3A_50, %add3A_918 : i32
      %lt3A_920 = vector.broadcast %add3A_919 : i32 to vector<16xi32>
      %lt3A_921 = arith.cmpi slt, %and3A_909, %lt3A_920 : vector<16xi32>
      %and3A_922 = arith.andi %ge3A_917, %lt3A_921 : vector<16xi1>
      %sub3A_923 = vector.broadcast %mul3A_50 : i32 to vector<16xi32>
      %sub3A_924 = arith.subi %and3A_909, %sub3A_923 : vector<16xi32>
      %add3A_925 = arith.addi %mul3A_915, %sub3A_924 : vector<16xi32>
      %add3A_926 = arith.addi %mul3A_915, %and3A_909 : vector<16xi32>
      %and3A_927 = arith.constant 1023 : i32
      %and3A_928 = vector.broadcast %and3A_927 : i32 to vector<16xi32>
      %and3A_929 = arith.andi %add3A_926, %and3A_928 : vector<16xi32>
      %add3A_930 = arith.constant 640000 : i32
      %add3A_931 = vector.broadcast %add3A_930 : i32 to vector<16xi32>
      %add3A_932 = arith.addi %add3A_931, %and3A_929 : vector<16xi32>
      %select_n3A_933 = arith.select %and3A_922, %add3A_925, %add3A_932 : vector<16xi1>, vector<16xi32>
      %swap3A_934 = arith.constant 2 : i32
      %swap3A_935 = arith.index_cast %swap3A_934 : i32 to index
      %swap3A_936 = arith.constant 80 : index
      %swap3A_937 = tpu.vector_load %arg13[%swap3A_935, %swap3A_936] {strides = array<i32>} : memref<4x128xi32, #tpu.memory_space<vmem>>, vector<1x16xi32>,
      %swap3A_938 = vector.shape_cast %swap3A_937 : vector<1x16xi32> to vector<16xi32>
      %swap3A_939 = vector.shape_cast %select_n3A_933 : vector<16xi32> to vector<1x16xi32>
      tpu.vector_store %arg13[%swap3A_935, %swap3A_936], %swap3A_939 {strides = array<i32>} : memref<4x128xi32, #tpu.memory_space<vmem>>, vector<1x16xi32>,
      %add3A_940 = arith.constant 56 : i32
      %add3A_941 = vector.broadcast %add3A_940 : i32 to vector<16xi32>
      %add3A_942 = arith.addi %add3A_941, %shift_right_arithmetic3A_912 : vector<16xi32>
      %add3A_943 = arith.addi %mul3A_915, %add3A_942 : vector<16xi32>
      %swap3A_944 = arith.constant 3 : i32
      %swap3A_945 = arith.index_cast %swap3A_944 : i32 to index
      %swap3A_946 = arith.constant 80 : index
      %swap3A_947 = tpu.vector_load %arg13[%swap3A_945, %swap3A_946] {strides = array<i32>} : memref<4x128xi32, #tpu.memory_space<vmem>>, vector<1x16xi32>,
      %swap3A_948 = vector.shape_cast %swap3A_947 : vector<1x16xi32> to vector<16xi32>
      %swap3A_949 = vector.shape_cast %add3A_943 : vector<16xi32> to vector<1x16xi32>
      tpu.vector_store %arg13[%swap3A_945, %swap3A_946], %swap3A_949 {strides = array<i32>} : memref<4x128xi32, #tpu.memory_space<vmem>>, vector<1x16xi32>,
      %swap3A_950 = arith.constant 16 : index
      %swap3A_951 = tpu.vector_load %arg17[%swap3A_950] {strides = array<i32>} : memref<32xi32, #tpu.memory_space<vmem>>, vector<16xi32>,
      %swap3A_952 = vector.shape_cast %swap3A_951 : vector<16xi32> to vector<16xi32>
      %swap3A_953 = vector.shape_cast %shift_right_arithmetic3A_903 : vector<16xi32> to vector<16xi32>
      tpu.vector_store %arg17[%swap3A_950], %swap3A_953 {strides = array<i32>} : memref<32xi32, #tpu.memory_space<vmem>>, vector<16xi32>,
      %get3A_954 = arith.constant 224 : index
      %get3A_955 = tpu.vector_load %arg12[%get3A_954] {strides = array<i32>} : memref<256xi32, #tpu.memory_space<vmem>>, vector<16xi32>,
      %get3A_956 = vector.shape_cast %get3A_955 : vector<16xi32> to vector<16xi32>
      %shift_right_arithmetic3A_957 = arith.constant 10 : i32
      %shift_right_arithmetic3A_958 = vector.broadcast %shift_right_arithmetic3A_957 : i32 to vector<16xi32>
      %shift_right_arithmetic3A_959 = arith.shrsi %get3A_956, %shift_right_arithmetic3A_958 : vector<16xi32>
      %and3A_960 = arith.constant 1023 : i32
      %and3A_961 = vector.broadcast %and3A_960 : i32 to vector<16xi32>
      %and3A_962 = arith.andi %get3A_956, %and3A_961 : vector<16xi32>
      %and3A_963 = arith.constant 127 : i32
      %and3A_964 = vector.broadcast %and3A_963 : i32 to vector<16xi32>
      %and3A_965 = arith.andi %and3A_962, %and3A_964 : vector<16xi32>
      %shift_right_arithmetic3A_966 = arith.constant 7 : i32
      %shift_right_arithmetic3A_967 = vector.broadcast %shift_right_arithmetic3A_966 : i32 to vector<16xi32>
      %shift_right_arithmetic3A_968 = arith.shrsi %and3A_962, %shift_right_arithmetic3A_967 : vector<16xi32>
      %mul3A_969 = arith.constant 64 : i32
      %mul3A_970 = vector.broadcast %mul3A_969 : i32 to vector<16xi32>
      %mul3A_971 = arith.muli %shift_right_arithmetic3A_959, %mul3A_970 : vector<16xi32>
      %ge3A_972 = vector.broadcast %mul3A_50 : i32 to vector<16xi32>
      %ge3A_973 = arith.cmpi sge, %and3A_965, %ge3A_972 : vector<16xi32>
      %add3A_974 = arith.constant 64 : i32
      %add3A_975 = arith.addi %mul3A_50, %add3A_974 : i32
      %lt3A_976 = vector.broadcast %add3A_975 : i32 to vector<16xi32>
      %lt3A_977 = arith.cmpi slt, %and3A_965, %lt3A_976 : vector<16xi32>
      %and3A_978 = arith.andi %ge3A_973, %lt3A_977 : vector<16xi1>
      %sub3A_979 = vector.broadcast %mul3A_50 : i32 to vector<16xi32>
      %sub3A_980 = arith.subi %and3A_965, %sub3A_979 : vector<16xi32>
      %add3A_981 = arith.addi %mul3A_971, %sub3A_980 : vector<16xi32>
      %add3A_982 = arith.addi %mul3A_971, %and3A_965 : vector<16xi32>
      %and3A_983 = arith.constant 1023 : i32
      %and3A_984 = vector.broadcast %and3A_983 : i32 to vector<16xi32>
      %and3A_985 = arith.andi %add3A_982, %and3A_984 : vector<16xi32>
      %add3A_986 = arith.constant 640000 : i32
      %add3A_987 = vector.broadcast %add3A_986 : i32 to vector<16xi32>
      %add3A_988 = arith.addi %add3A_987, %and3A_985 : vector<16xi32>
      %select_n3A_989 = arith.select %and3A_978, %add3A_981, %add3A_988 : vector<16xi1>, vector<16xi32>
      %swap3A_990 = arith.constant 2 : i32
      %swap3A_991 = arith.index_cast %swap3A_990 : i32 to index
      %swap3A_992 = arith.constant 96 : index
      %swap3A_993 = tpu.vector_load %arg13[%swap3A_991, %swap3A_992] {strides = array<i32>} : memref<4x128xi32, #tpu.memory_space<vmem>>, vector<1x16xi32>,
      %swap3A_994 = vector.shape_cast %swap3A_993 : vector<1x16xi32> to vector<16xi32>
      %swap3A_995 = vector.shape_cast %select_n3A_989 : vector<16xi32> to vector<1x16xi32>
      tpu.vector_store %arg13[%swap3A_991, %swap3A_992], %swap3A_995 {strides = array<i32>} : memref<4x128xi32, #tpu.memory_space<vmem>>, vector<1x16xi32>,
      %add3A_996 = arith.constant 56 : i32
      %add3A_997 = vector.broadcast %add3A_996 : i32 to vector<16xi32>
      %add3A_998 = arith.addi %add3A_997, %shift_right_arithmetic3A_968 : vector<16xi32>
      %add3A_999 = arith.addi %mul3A_971, %add3A_998 : vector<16xi32>
      %swap3A_1000 = arith.constant 3 : i32
      %swap3A_1001 = arith.index_cast %swap3A_1000 : i32 to index
      %swap3A_1002 = arith.constant 96 : index
      %swap3A_1003 = tpu.vector_load %arg13[%swap3A_1001, %swap3A_1002] {strides = array<i32>} : memref<4x128xi32, #tpu.memory_space<vmem>>, vector<1x16xi32>,
      %swap3A_1004 = vector.shape_cast %swap3A_1003 : vector<1x16xi32> to vector<16xi32>
      %swap3A_1005 = vector.shape_cast %add3A_999 : vector<16xi32> to vector<1x16xi32>
      tpu.vector_store %arg13[%swap3A_1001, %swap3A_1002], %swap3A_1005 {strides = array<i32>} : memref<4x128xi32, #tpu.memory_space<vmem>>, vector<1x16xi32>,
      %swap3A_1006 = arith.constant 0 : index
      %swap3A_1007 = tpu.vector_load %arg18[%swap3A_1006] {strides = array<i32>} : memref<32xi32, #tpu.memory_space<vmem>>, vector<16xi32>,
      %swap3A_1008 = vector.shape_cast %swap3A_1007 : vector<16xi32> to vector<16xi32>
      %swap3A_1009 = vector.shape_cast %shift_right_arithmetic3A_959 : vector<16xi32> to vector<16xi32>
      tpu.vector_store %arg18[%swap3A_1006], %swap3A_1009 {strides = array<i32>} : memref<32xi32, #tpu.memory_space<vmem>>, vector<16xi32>,
      %get3A_1010 = arith.constant 240 : index
      %get3A_1011 = tpu.vector_load %arg12[%get3A_1010] {strides = array<i32>} : memref<256xi32, #tpu.memory_space<vmem>>, vector<16xi32>,
      %get3A_1012 = vector.shape_cast %get3A_1011 : vector<16xi32> to vector<16xi32>
      %shift_right_arithmetic3A_1013 = arith.constant 10 : i32
      %shift_right_arithmetic3A_1014 = vector.broadcast %shift_right_arithmetic3A_1013 : i32 to vector<16xi32>
      %shift_right_arithmetic3A_1015 = arith.shrsi %get3A_1012, %shift_right_arithmetic3A_1014 : vector<16xi32>
      %and3A_1016 = arith.constant 1023 : i32
      %and3A_1017 = vector.broadcast %and3A_1016 : i32 to vector<16xi32>
      %and3A_1018 = arith.andi %get3A_1012, %and3A_1017 : vector<16xi32>
      %and3A_1019 = arith.constant 127 : i32
      %and3A_1020 = vector.broadcast %and3A_1019 : i32 to vector<16xi32>
      %and3A_1021 = arith.andi %and3A_1018, %and3A_1020 : vector<16xi32>
      %shift_right_arithmetic3A_1022 = arith.constant 7 : i32
      %shift_right_arithmetic3A_1023 = vector.broadcast %shift_right_arithmetic3A_1022 : i32 to vector<16xi32>
      %shift_right_arithmetic3A_1024 = arith.shrsi %and3A_1018, %shift_right_arithmetic3A_1023 : vector<16xi32>
      %mul3A_1025 = arith.constant 64 : i32
      %mul3A_1026 = vector.broadcast %mul3A_1025 : i32 to vector<16xi32>
      %mul3A_1027 = arith.muli %shift_right_arithmetic3A_1015, %mul3A_1026 : vector<16xi32>
      %ge3A_1028 = vector.broadcast %mul3A_50 : i32 to vector<16xi32>
      %ge3A_1029 = arith.cmpi sge, %and3A_1021, %ge3A_1028 : vector<16xi32>
      %add3A_1030 = arith.constant 64 : i32
      %add3A_1031 = arith.addi %mul3A_50, %add3A_1030 : i32
      %lt3A_1032 = vector.broadcast %add3A_1031 : i32 to vector<16xi32>
      %lt3A_1033 = arith.cmpi slt, %and3A_1021, %lt3A_1032 : vector<16xi32>
      %and3A_1034 = arith.andi %ge3A_1029, %lt3A_1033 : vector<16xi1>
      %sub3A_1035 = vector.broadcast %mul3A_50 : i32 to vector<16xi32>
      %sub3A_1036 = arith.subi %and3A_1021, %sub3A_1035 : vector<16xi32>
      %add3A_1037 = arith.addi %mul3A_1027, %sub3A_1036 : vector<16xi32>
      %add3A_1038 = arith.addi %mul3A_1027, %and3A_1021 : vector<16xi32>
      %and3A_1039 = arith.constant 1023 : i32
      %and3A_1040 = vector.broadcast %and3A_1039 : i32 to vector<16xi32>
      %and3A_1041 = arith.andi %add3A_1038, %and3A_1040 : vector<16xi32>
      %add3A_1042 = arith.constant 640000 : i32
      %add3A_1043 = vector.broadcast %add3A_1042 : i32 to vector<16xi32>
      %add3A_1044 = arith.addi %add3A_1043, %and3A_1041 : vector<16xi32>
      %select_n3A_1045 = arith.select %and3A_1034, %add3A_1037, %add3A_1044 : vector<16xi1>, vector<16xi32>
      %swap3A_1046 = arith.constant 2 : i32
      %swap3A_1047 = arith.index_cast %swap3A_1046 : i32 to index
      %swap3A_1048 = arith.constant 112 : index
      %swap3A_1049 = tpu.vector_load %arg13[%swap3A_1047, %swap3A_1048] {strides = array<i32>} : memref<4x128xi32, #tpu.memory_space<vmem>>, vector<1x16xi32>,
      %swap3A_1050 = vector.shape_cast %swap3A_1049 : vector<1x16xi32> to vector<16xi32>
      %swap3A_1051 = vector.shape_cast %select_n3A_1045 : vector<16xi32> to vector<1x16xi32>
      tpu.vector_store %arg13[%swap3A_1047, %swap3A_1048], %swap3A_1051 {strides = array<i32>} : memref<4x128xi32, #tpu.memory_space<vmem>>, vector<1x16xi32>,
      %add3A_1052 = arith.constant 56 : i32
      %add3A_1053 = vector.broadcast %add3A_1052 : i32 to vector<16xi32>
      %add3A_1054 = arith.addi %add3A_1053, %shift_right_arithmetic3A_1024 : vector<16xi32>
      %add3A_1055 = arith.addi %mul3A_1027, %add3A_1054 : vector<16xi32>
      %swap3A_1056 = arith.constant 3 : i32
      %swap3A_1057 = arith.index_cast %swap3A_1056 : i32 to index
      %swap3A_1058 = arith.constant 112 : index
      %swap3A_1059 = tpu.vector_load %arg13[%swap3A_1057, %swap3A_1058] {strides = array<i32>} : memref<4x128xi32, #tpu.memory_space<vmem>>, vector<1x16xi32>,
      %swap3A_1060 = vector.shape_cast %swap3A_1059 : vector<1x16xi32> to vector<16xi32>
      %swap3A_1061 = vector.shape_cast %add3A_1055 : vector<16xi32> to vector<1x16xi32>
      tpu.vector_store %arg13[%swap3A_1057, %swap3A_1058], %swap3A_1061 {strides = array<i32>} : memref<4x128xi32, #tpu.memory_space<vmem>>, vector<1x16xi32>,
      %swap3A_1062 = arith.constant 16 : index
      %swap3A_1063 = tpu.vector_load %arg18[%swap3A_1062] {strides = array<i32>} : memref<32xi32, #tpu.memory_space<vmem>>, vector<16xi32>,
      %swap3A_1064 = vector.shape_cast %swap3A_1063 : vector<16xi32> to vector<16xi32>
      %swap3A_1065 = vector.shape_cast %shift_right_arithmetic3A_1015 : vector<16xi32> to vector<16xi32>
      tpu.vector_store %arg18[%swap3A_1062], %swap3A_1065 {strides = array<i32>} : memref<32xi32, #tpu.memory_space<vmem>>, vector<16xi32>,
      %dma_start3A_1066 = arith.constant 2 : i32
      %dma_start3A_1067 = arith.constant 0 : i32
      %dma_start3A_1068 = tpu.memref_slice %arg13[%dma_start3A_1066, %dma_start3A_1067] : memref<4x128xi32, #tpu.memory_space<vmem>> -> memref<1x128xi32, #tpu.memory_space<vmem>>
      %dma_start3A_1069 = tpu.memref_squeeze %dma_start3A_1068 : memref<1x128xi32, #tpu.memory_space<vmem>> -> memref<128xi32, #tpu.memory_space<vmem>>
      %dma_start3A_1070 = arith.constant 0 : i32
      %dma_start3A_1071 = tpu.memref_slice %arg10[%dma_start3A_1070] : memref<641024xf32, #tpu.memory_space<vmem_shared>> -> memref<641024xf32, #tpu.memory_space<vmem_shared>>
      tpu.enqueue_indirect_dma source(%arg14 : memref<128xf32, #tpu.memory_space<vmem>>) target(%dma_start3A_1071 : memref<641024xf32, #tpu.memory_space<vmem_shared>>) offsets(%dma_start3A_1069 : memref<128xi32, #tpu.memory_space<vmem>>) semaphore(%arg24 : memref<!tpu.dma_semaphore, #tpu.memory_space<semaphore_mem>>) {add = true}
      %eq3A_1072 = arith.constant 1 : i32
      %eq3A_1073 = arith.cmpi eq, %arg0, %eq3A_1072 : i32
      %convert_element_type3A_1074 = arith.extui %eq3A_1073 : i1 to i32
      %cond3A_1075 = arith.constant 0 : i32
      %cond3A_1076 = arith.cmpi ne, %convert_element_type3A_1074, %cond3A_1075 : i32
      scf.if %cond3A_1076 {
        %dma_start3A_1087 = arith.constant 3 : i32
        %dma_start3A_1088 = arith.constant 0 : i32
        %dma_start3A_1089 = tpu.memref_slice %arg13[%dma_start3A_1087, %dma_start3A_1088] : memref<4x128xi32, #tpu.memory_space<vmem>> -> memref<1x128xi32, #tpu.memory_space<vmem>>
        %dma_start3A_1090 = tpu.memref_squeeze %dma_start3A_1089 : memref<1x128xi32, #tpu.memory_space<vmem>> -> memref<128xi32, #tpu.memory_space<vmem>>
        %dma_start3A_1091 = arith.constant 0 : i32
        %dma_start3A_1092 = tpu.memref_slice %arg10[%dma_start3A_1091] : memref<641024xf32, #tpu.memory_space<vmem_shared>> -> memref<641024xf32, #tpu.memory_space<vmem_shared>>
        tpu.enqueue_indirect_dma source(%arg14 : memref<128xf32, #tpu.memory_space<vmem>>) target(%dma_start3A_1092 : memref<641024xf32, #tpu.memory_space<vmem_shared>>) offsets(%dma_start3A_1090 : memref<128xi32, #tpu.memory_space<vmem>>) semaphore(%arg24 : memref<!tpu.dma_semaphore, #tpu.memory_space<semaphore_mem>>) {add = true}
      } else {
      }
      %eq3A_1077 = arith.constant 0 : i32
      %eq3A_1078 = arith.cmpi eq, %arg0, %eq3A_1077 : i32
      %lt3A_1079 = arith.constant 101 : i32
      %lt3A_1080 = arith.cmpi slt, %add3A_585, %lt3A_1079 : i32
      %ge3A_1081 = arith.constant 101 : i32
      %ge3A_1082 = arith.cmpi sge, %add3A_585, %ge3A_1081 : i32
      %select_n3A_1083 = arith.select %eq3A_1078, %lt3A_1080, %ge3A_1082 : i1
      %convert_element_type3A_1084 = arith.extui %select_n3A_1083 : i1 to i32
      %cond3A_1085 = arith.constant 0 : i32
      %cond3A_1086 = arith.cmpi ne, %convert_element_type3A_1084, %cond3A_1085 : i32
      scf.if %cond3A_1086 {
        %dma_start3A_1087 = arith.constant 128 : i32
        %dma_start3A_1088 = tpu.memref_slice %arg11[%dma_start3A_1087] : memref<256xi32, #tpu.memory_space<vmem>> -> memref<32xi32, #tpu.memory_space<vmem>>
        %dma_start3A_1089 = arith.constant 0 : i32
        %dma_start3A_1090 = arith.constant 0 : i32
        %dma_start3A_1091 = tpu.memref_slice %arg2[%dma_start3A_1089, %dma_start3A_1090] : memref<10000x128xf32, #tpu.memory_space<hbm>> -> memref<10000x128xf32, #tpu.memory_space<hbm>>
        tpu.enqueue_indirect_dma source(%dma_start3A_1091 : memref<10000x128xf32, #tpu.memory_space<hbm>>) target(%arg19 : memref<32x128xf32, #tpu.memory_space<vmem>>) offsets(%dma_start3A_1088 : memref<32xi32, #tpu.memory_space<vmem>>) semaphore(%arg22 : memref<!tpu.dma_semaphore, #tpu.memory_space<semaphore_mem>>)
        %dma_start3A_1092 = arith.constant 160 : i32
        %dma_start3A_1093 = tpu.memref_slice %arg11[%dma_start3A_1092] : memref<256xi32, #tpu.memory_space<vmem>> -> memref<32xi32, #tpu.memory_space<vmem>>
        %dma_start3A_1094 = arith.constant 0 : i32
        %dma_start3A_1095 = arith.constant 0 : i32
        %dma_start3A_1096 = tpu.memref_slice %arg2[%dma_start3A_1094, %dma_start3A_1095] : memref<10000x128xf32, #tpu.memory_space<hbm>> -> memref<10000x128xf32, #tpu.memory_space<hbm>>
        tpu.enqueue_indirect_dma source(%dma_start3A_1096 : memref<10000x128xf32, #tpu.memory_space<hbm>>) target(%arg20 : memref<32x128xf32, #tpu.memory_space<vmem>>) offsets(%dma_start3A_1093 : memref<32xi32, #tpu.memory_space<vmem>>) semaphore(%arg22 : memref<!tpu.dma_semaphore, #tpu.memory_space<semaphore_mem>>)
        %dma_wait3A_1097 = arith.constant 128 : i32
        %dma_wait3A_1098 = tpu.memref_slice %arg11[%dma_wait3A_1097] : memref<256xi32, #tpu.memory_space<vmem>> -> memref<32xi32, #tpu.memory_space<vmem>>
        %dma_wait3A_1099 = arith.constant 0 : i32
        %dma_wait3A_1100 = arith.constant 0 : i32
        %dma_wait3A_1101 = tpu.memref_slice %arg2[%dma_wait3A_1099, %dma_wait3A_1100] : memref<10000x128xf32, #tpu.memory_space<hbm>> -> memref<10000x128xf32, #tpu.memory_space<hbm>>
        tpu.wait_indirect_dma semaphore(%arg22 : memref<!tpu.dma_semaphore, #tpu.memory_space<semaphore_mem>>) src(%dma_wait3A_1101 : memref<10000x128xf32, #tpu.memory_space<hbm>>) dst(%arg19 : memref<32x128xf32, #tpu.memory_space<vmem>>)
        %dma_start3A_1102 = arith.constant 0 : i32
        %dma_start3A_1103 = arith.constant 0 : i32
        %dma_start3A_1104 = tpu.memref_slice %arg9[%dma_start3A_1102, %dma_start3A_1103] : memref<10112x128xf32, #tpu.memory_space<vmem_shared>> -> memref<10112x128xf32, #tpu.memory_space<vmem_shared>>
        tpu.enqueue_indirect_dma source(%arg19 : memref<32x128xf32, #tpu.memory_space<vmem>>) target(%dma_start3A_1104 : memref<10112x128xf32, #tpu.memory_space<vmem_shared>>) offsets(%arg15 : memref<32xi32, #tpu.memory_space<vmem>>) semaphore(%arg23 : memref<!tpu.dma_semaphore, #tpu.memory_space<semaphore_mem>>) {add = true}
        %dma_wait3A_1105 = arith.constant 160 : i32
        %dma_wait3A_1106 = tpu.memref_slice %arg11[%dma_wait3A_1105] : memref<256xi32, #tpu.memory_space<vmem>> -> memref<32xi32, #tpu.memory_space<vmem>>
        %dma_wait3A_1107 = arith.constant 0 : i32
        %dma_wait3A_1108 = arith.constant 0 : i32
        %dma_wait3A_1109 = tpu.memref_slice %arg2[%dma_wait3A_1107, %dma_wait3A_1108] : memref<10000x128xf32, #tpu.memory_space<hbm>> -> memref<10000x128xf32, #tpu.memory_space<hbm>>
        tpu.wait_indirect_dma semaphore(%arg22 : memref<!tpu.dma_semaphore, #tpu.memory_space<semaphore_mem>>) src(%dma_wait3A_1109 : memref<10000x128xf32, #tpu.memory_space<hbm>>) dst(%arg20 : memref<32x128xf32, #tpu.memory_space<vmem>>)
        %dma_start3A_1110 = arith.constant 0 : i32
        %dma_start3A_1111 = arith.constant 0 : i32
        %dma_start3A_1112 = tpu.memref_slice %arg9[%dma_start3A_1110, %dma_start3A_1111] : memref<10112x128xf32, #tpu.memory_space<vmem_shared>> -> memref<10112x128xf32, #tpu.memory_space<vmem_shared>>
        tpu.enqueue_indirect_dma source(%arg20 : memref<32x128xf32, #tpu.memory_space<vmem>>) target(%dma_start3A_1112 : memref<10112x128xf32, #tpu.memory_space<vmem_shared>>) offsets(%arg16 : memref<32xi32, #tpu.memory_space<vmem>>) semaphore(%arg23 : memref<!tpu.dma_semaphore, #tpu.memory_space<semaphore_mem>>) {add = true}
        %dma_wait3A_1113 = arith.constant 0 : i32
        %dma_wait3A_1114 = arith.constant 0 : i32
        %dma_wait3A_1115 = tpu.memref_slice %arg9[%dma_wait3A_1113, %dma_wait3A_1114] : memref<10112x128xf32, #tpu.memory_space<vmem_shared>> -> memref<10112x128xf32, #tpu.memory_space<vmem_shared>>
        tpu.wait_indirect_dma semaphore(%arg23 : memref<!tpu.dma_semaphore, #tpu.memory_space<semaphore_mem>>) src(%arg19 : memref<32x128xf32, #tpu.memory_space<vmem>>) dst(%dma_wait3A_1115 : memref<10112x128xf32, #tpu.memory_space<vmem_shared>>)
        %dma_start3A_1116 = arith.constant 192 : i32
        %dma_start3A_1117 = tpu.memref_slice %arg11[%dma_start3A_1116] : memref<256xi32, #tpu.memory_space<vmem>> -> memref<32xi32, #tpu.memory_space<vmem>>
        %dma_start3A_1118 = arith.constant 0 : i32
        %dma_start3A_1119 = arith.constant 0 : i32
        %dma_start3A_1120 = tpu.memref_slice %arg2[%dma_start3A_1118, %dma_start3A_1119] : memref<10000x128xf32, #tpu.memory_space<hbm>> -> memref<10000x128xf32, #tpu.memory_space<hbm>>
        tpu.enqueue_indirect_dma source(%dma_start3A_1120 : memref<10000x128xf32, #tpu.memory_space<hbm>>) target(%arg19 : memref<32x128xf32, #tpu.memory_space<vmem>>) offsets(%dma_start3A_1117 : memref<32xi32, #tpu.memory_space<vmem>>) semaphore(%arg22 : memref<!tpu.dma_semaphore, #tpu.memory_space<semaphore_mem>>)
        %dma_wait3A_1121 = arith.constant 192 : i32
        %dma_wait3A_1122 = tpu.memref_slice %arg11[%dma_wait3A_1121] : memref<256xi32, #tpu.memory_space<vmem>> -> memref<32xi32, #tpu.memory_space<vmem>>
        %dma_wait3A_1123 = arith.constant 0 : i32
        %dma_wait3A_1124 = arith.constant 0 : i32
        %dma_wait3A_1125 = tpu.memref_slice %arg2[%dma_wait3A_1123, %dma_wait3A_1124] : memref<10000x128xf32, #tpu.memory_space<hbm>> -> memref<10000x128xf32, #tpu.memory_space<hbm>>
        tpu.wait_indirect_dma semaphore(%arg22 : memref<!tpu.dma_semaphore, #tpu.memory_space<semaphore_mem>>) src(%dma_wait3A_1125 : memref<10000x128xf32, #tpu.memory_space<hbm>>) dst(%arg19 : memref<32x128xf32, #tpu.memory_space<vmem>>)
        %dma_start3A_1126 = arith.constant 0 : i32
        %dma_start3A_1127 = arith.constant 0 : i32
        %dma_start3A_1128 = tpu.memref_slice %arg9[%dma_start3A_1126, %dma_start3A_1127] : memref<10112x128xf32, #tpu.memory_space<vmem_shared>> -> memref<10112x128xf32, #tpu.memory_space<vmem_shared>>
        tpu.enqueue_indirect_dma source(%arg19 : memref<32x128xf32, #tpu.memory_space<vmem>>) target(%dma_start3A_1128 : memref<10112x128xf32, #tpu.memory_space<vmem_shared>>) offsets(%arg17 : memref<32xi32, #tpu.memory_space<vmem>>) semaphore(%arg23 : memref<!tpu.dma_semaphore, #tpu.memory_space<semaphore_mem>>) {add = true}
        %dma_wait3A_1129 = arith.constant 0 : i32
        %dma_wait3A_1130 = arith.constant 0 : i32
        %dma_wait3A_1131 = tpu.memref_slice %arg9[%dma_wait3A_1129, %dma_wait3A_1130] : memref<10112x128xf32, #tpu.memory_space<vmem_shared>> -> memref<10112x128xf32, #tpu.memory_space<vmem_shared>>
        tpu.wait_indirect_dma semaphore(%arg23 : memref<!tpu.dma_semaphore, #tpu.memory_space<semaphore_mem>>) src(%arg20 : memref<32x128xf32, #tpu.memory_space<vmem>>) dst(%dma_wait3A_1131 : memref<10112x128xf32, #tpu.memory_space<vmem_shared>>)
        %dma_start3A_1132 = arith.constant 224 : i32
        %dma_start3A_1133 = tpu.memref_slice %arg11[%dma_start3A_1132] : memref<256xi32, #tpu.memory_space<vmem>> -> memref<32xi32, #tpu.memory_space<vmem>>
        %dma_start3A_1134 = arith.constant 0 : i32
        %dma_start3A_1135 = arith.constant 0 : i32
        %dma_start3A_1136 = tpu.memref_slice %arg2[%dma_start3A_1134, %dma_start3A_1135] : memref<10000x128xf32, #tpu.memory_space<hbm>> -> memref<10000x128xf32, #tpu.memory_space<hbm>>
        tpu.enqueue_indirect_dma source(%dma_start3A_1136 : memref<10000x128xf32, #tpu.memory_space<hbm>>) target(%arg20 : memref<32x128xf32, #tpu.memory_space<vmem>>) offsets(%dma_start3A_1133 : memref<32xi32, #tpu.memory_space<vmem>>) semaphore(%arg22 : memref<!tpu.dma_semaphore, #tpu.memory_space<semaphore_mem>>)
        %dma_wait3A_1137 = arith.constant 224 : i32
        %dma_wait3A_1138 = tpu.memref_slice %arg11[%dma_wait3A_1137] : memref<256xi32, #tpu.memory_space<vmem>> -> memref<32xi32, #tpu.memory_space<vmem>>
        %dma_wait3A_1139 = arith.constant 0 : i32
        %dma_wait3A_1140 = arith.constant 0 : i32
        %dma_wait3A_1141 = tpu.memref_slice %arg2[%dma_wait3A_1139, %dma_wait3A_1140] : memref<10000x128xf32, #tpu.memory_space<hbm>> -> memref<10000x128xf32, #tpu.memory_space<hbm>>
        tpu.wait_indirect_dma semaphore(%arg22 : memref<!tpu.dma_semaphore, #tpu.memory_space<semaphore_mem>>) src(%dma_wait3A_1141 : memref<10000x128xf32, #tpu.memory_space<hbm>>) dst(%arg20 : memref<32x128xf32, #tpu.memory_space<vmem>>)
        %dma_start3A_1142 = arith.constant 0 : i32
        %dma_start3A_1143 = arith.constant 0 : i32
        %dma_start3A_1144 = tpu.memref_slice %arg9[%dma_start3A_1142, %dma_start3A_1143] : memref<10112x128xf32, #tpu.memory_space<vmem_shared>> -> memref<10112x128xf32, #tpu.memory_space<vmem_shared>>
        tpu.enqueue_indirect_dma source(%arg20 : memref<32x128xf32, #tpu.memory_space<vmem>>) target(%dma_start3A_1144 : memref<10112x128xf32, #tpu.memory_space<vmem_shared>>) offsets(%arg18 : memref<32xi32, #tpu.memory_space<vmem>>) semaphore(%arg23 : memref<!tpu.dma_semaphore, #tpu.memory_space<semaphore_mem>>) {add = true}
        %dma_wait3A_1145 = arith.constant 0 : i32
        %dma_wait3A_1146 = arith.constant 0 : i32
        %dma_wait3A_1147 = tpu.memref_slice %arg9[%dma_wait3A_1145, %dma_wait3A_1146] : memref<10112x128xf32, #tpu.memory_space<vmem_shared>> -> memref<10112x128xf32, #tpu.memory_space<vmem_shared>>
        tpu.wait_indirect_dma semaphore(%arg23 : memref<!tpu.dma_semaphore, #tpu.memory_space<semaphore_mem>>) src(%arg19 : memref<32x128xf32, #tpu.memory_space<vmem>>) dst(%dma_wait3A_1147 : memref<10112x128xf32, #tpu.memory_space<vmem_shared>>)
        %dma_wait3A_1148 = arith.constant 0 : i32
        %dma_wait3A_1149 = arith.constant 0 : i32
        %dma_wait3A_1150 = tpu.memref_slice %arg9[%dma_wait3A_1148, %dma_wait3A_1149] : memref<10112x128xf32, #tpu.memory_space<vmem_shared>> -> memref<10112x128xf32, #tpu.memory_space<vmem_shared>>
        tpu.wait_indirect_dma semaphore(%arg23 : memref<!tpu.dma_semaphore, #tpu.memory_space<semaphore_mem>>) src(%arg20 : memref<32x128xf32, #tpu.memory_space<vmem>>) dst(%dma_wait3A_1150 : memref<10112x128xf32, #tpu.memory_space<vmem_shared>>)
      } else {
      }
    }
    %scan3A_68 = arith.constant 79 : i32
    %dma_wait3A = arith.constant 0 : i32
    %dma_wait3A_69 = tpu.memref_slice %arg6[%dma_wait3A] : memref<40064xf32, #tpu.memory_space<hbm>> -> memref<128xf32, #tpu.memory_space<hbm>>
    %dma_wait3A_70 = arith.constant 0 : i32
    %dma_wait3A_71 = tpu.memref_slice %arg6[%dma_wait3A_70] : memref<40064xf32, #tpu.memory_space<hbm>> -> memref<128xf32, #tpu.memory_space<hbm>>
    tpu.wait_dma2 semaphore(%arg24 : memref<!tpu.dma_semaphore, #tpu.memory_space<semaphore_mem>>) src(%dma_wait3A_71 : memref<128xf32, #tpu.memory_space<hbm>>) dst(%arg14 : memref<128xf32, #tpu.memory_space<vmem>>)
    %dma_wait3A_72 = arith.constant 0 : i32
    %dma_wait3A_73 = tpu.memref_slice %arg6[%dma_wait3A_72] : memref<40064xf32, #tpu.memory_space<hbm>> -> memref<128xf32, #tpu.memory_space<hbm>>
    %dma_wait3A_74 = arith.constant 0 : i32
    %dma_wait3A_75 = tpu.memref_slice %arg6[%dma_wait3A_74] : memref<40064xf32, #tpu.memory_space<hbm>> -> memref<128xf32, #tpu.memory_space<hbm>>
    tpu.wait_dma2 semaphore(%arg24 : memref<!tpu.dma_semaphore, #tpu.memory_space<semaphore_mem>>) src(%dma_wait3A_75 : memref<128xf32, #tpu.memory_space<hbm>>) dst(%arg14 : memref<128xf32, #tpu.memory_space<vmem>>)
    %eq3A = arith.constant 1 : i32
    %eq3A_76 = arith.cmpi eq, %arg0, %eq3A : i32
    %convert_element_type3A = arith.extui %eq3A_76 : i1 to i32
    %cond3A = arith.constant 0 : i32
    %cond3A_77 = arith.cmpi ne, %convert_element_type3A, %cond3A : i32
    scf.if %cond3A_77 {
      %dma_wait3A_87 = arith.constant 0 : i32
      %dma_wait3A_88 = tpu.memref_slice %arg6[%dma_wait3A_87] : memref<40064xf32, #tpu.memory_space<hbm>> -> memref<128xf32, #tpu.memory_space<hbm>>
      %dma_wait3A_89 = arith.constant 0 : i32
      %dma_wait3A_90 = tpu.memref_slice %arg6[%dma_wait3A_89] : memref<40064xf32, #tpu.memory_space<hbm>> -> memref<128xf32, #tpu.memory_space<hbm>>
      tpu.wait_dma2 semaphore(%arg24 : memref<!tpu.dma_semaphore, #tpu.memory_space<semaphore_mem>>) src(%dma_wait3A_90 : memref<128xf32, #tpu.memory_space<hbm>>) dst(%arg14 : memref<128xf32, #tpu.memory_space<vmem>>)
      %dma_wait3A_91 = arith.constant 0 : i32
      %dma_wait3A_92 = tpu.memref_slice %arg6[%dma_wait3A_91] : memref<40064xf32, #tpu.memory_space<hbm>> -> memref<128xf32, #tpu.memory_space<hbm>>
      %dma_wait3A_93 = arith.constant 0 : i32
      %dma_wait3A_94 = tpu.memref_slice %arg6[%dma_wait3A_93] : memref<40064xf32, #tpu.memory_space<hbm>> -> memref<128xf32, #tpu.memory_space<hbm>>
      tpu.wait_dma2 semaphore(%arg24 : memref<!tpu.dma_semaphore, #tpu.memory_space<semaphore_mem>>) src(%dma_wait3A_94 : memref<128xf32, #tpu.memory_space<hbm>>) dst(%arg14 : memref<128xf32, #tpu.memory_space<vmem>>)
    } else {
    }
    %barrier3A_78 = arith.constant 0 : index
    tpu.barrier barrier_id(%barrier3A_78)
    %mul3A_79 = arith.constant 632 : i32
    %mul3A_80 = arith.muli %arg1, %mul3A_79 : i32
    %mul3A_81 = arith.constant 632 : i32
    %mul3A_82 = arith.muli %arg1, %mul3A_81 : i32
    "tpu.region"() ({
      %run_scoped3A = tpu.sem_alloc : memref<!tpu.dma_semaphore, #tpu.memory_space<semaphore_mem>>
      %dma_start3A_87 = arith.constant 0 : i32
      %dma_start3A_88 = tpu.memref_slice %arg7[%arg0, %mul3A_82, %dma_start3A_87] : memref<2x10112x128xf32, #tpu.memory_space<hbm>> -> memref<1x632x128xf32, #tpu.memory_space<hbm>>
      %dma_start3A_89 = tpu.memref_squeeze %dma_start3A_88 : memref<1x632x128xf32, #tpu.memory_space<hbm>> -> memref<632x128xf32, #tpu.memory_space<hbm>>
      %dma_start3A_90 = arith.constant 0 : i32
      %dma_start3A_91 = tpu.memref_slice %arg9[%mul3A_80, %dma_start3A_90] : memref<10112x128xf32, #tpu.memory_space<vmem_shared>> -> memref<632x128xf32, #tpu.memory_space<vmem_shared>>
      tpu.enqueue_dma source(%dma_start3A_91 : memref<632x128xf32, #tpu.memory_space<vmem_shared>>) target(%dma_start3A_89 : memref<632x128xf32, #tpu.memory_space<hbm>>) target_semaphore(%run_scoped3A : memref<!tpu.dma_semaphore, #tpu.memory_space<semaphore_mem>>)
      %dma_wait3A_92 = arith.constant 0 : i32
      %dma_wait3A_93 = tpu.memref_slice %arg7[%arg0, %mul3A_82, %dma_wait3A_92] : memref<2x10112x128xf32, #tpu.memory_space<hbm>> -> memref<1x632x128xf32, #tpu.memory_space<hbm>>
      %dma_wait3A_94 = tpu.memref_squeeze %dma_wait3A_93 : memref<1x632x128xf32, #tpu.memory_space<hbm>> -> memref<632x128xf32, #tpu.memory_space<hbm>>
      %dma_wait3A_95 = arith.constant 0 : i32
      %dma_wait3A_96 = tpu.memref_slice %arg9[%mul3A_80, %dma_wait3A_95] : memref<10112x128xf32, #tpu.memory_space<vmem_shared>> -> memref<632x128xf32, #tpu.memory_space<vmem_shared>>
      tpu.wait_dma2 semaphore(%run_scoped3A : memref<!tpu.dma_semaphore, #tpu.memory_space<semaphore_mem>>) src(%dma_wait3A_96 : memref<632x128xf32, #tpu.memory_space<vmem_shared>>) dst(%dma_wait3A_94 : memref<632x128xf32, #tpu.memory_space<hbm>>)
      tpu.yield
    }) : () -> ()
    %mul3A_83 = arith.constant 40064 : i32
    %mul3A_84 = arith.muli %arg1, %mul3A_83 : i32
    %mul3A_85 = arith.constant 40064 : i32
    %mul3A_86 = arith.muli %arg1, %mul3A_85 : i32
    "tpu.region"() ({
      %run_scoped3A = tpu.sem_alloc : memref<!tpu.dma_semaphore, #tpu.memory_space<semaphore_mem>>
      %dma_start3A_87 = tpu.memref_slice %arg8[%arg0, %mul3A_86] : memref<2x641024xf32, #tpu.memory_space<hbm>> -> memref<1x40064xf32, #tpu.memory_space<hbm>>
      %dma_start3A_88 = tpu.memref_squeeze %dma_start3A_87 : memref<1x40064xf32, #tpu.memory_space<hbm>> -> memref<40064xf32, #tpu.memory_space<hbm>>
      %dma_start3A_89 = tpu.memref_slice %arg10[%mul3A_84] : memref<641024xf32, #tpu.memory_space<vmem_shared>> -> memref<40064xf32, #tpu.memory_space<vmem_shared>>
      tpu.enqueue_dma source(%dma_start3A_89 : memref<40064xf32, #tpu.memory_space<vmem_shared>>) target(%dma_start3A_88 : memref<40064xf32, #tpu.memory_space<hbm>>) target_semaphore(%run_scoped3A : memref<!tpu.dma_semaphore, #tpu.memory_space<semaphore_mem>>)
      %dma_wait3A_90 = tpu.memref_slice %arg8[%arg0, %mul3A_86] : memref<2x641024xf32, #tpu.memory_space<hbm>> -> memref<1x40064xf32, #tpu.memory_space<hbm>>
      %dma_wait3A_91 = tpu.memref_squeeze %dma_wait3A_90 : memref<1x40064xf32, #tpu.memory_space<hbm>> -> memref<40064xf32, #tpu.memory_space<hbm>>
      %dma_wait3A_92 = tpu.memref_slice %arg10[%mul3A_84] : memref<641024xf32, #tpu.memory_space<vmem_shared>> -> memref<40064xf32, #tpu.memory_space<vmem_shared>>
      tpu.wait_dma2 semaphore(%run_scoped3A : memref<!tpu.dma_semaphore, #tpu.memory_space<semaphore_mem>>) src(%dma_wait3A_92 : memref<40064xf32, #tpu.memory_space<vmem_shared>>) dst(%dma_wait3A_91 : memref<40064xf32, #tpu.memory_space<hbm>>)
      tpu.yield
    }) : () -> ()
    return
  }
}

module attributes {stable_mosaic.version = 14 : i64} {
  func.func @_adapt_body(%arg0: i32, %arg1: memref<1000x128xf32, #tpu.memory_space<vmem>>, %arg2: memref<1000x1xi32, #tpu.memory_space<vmem>>, %arg3: memref<3x128x128xf32, #tpu.memory_space<vmem>>, %arg4: memref<1000x128xf32, #tpu.memory_space<vmem>>) attributes {dimension_semantics = [#tpu.dimension_semantics<arbitrary>], iteration_bounds = array<i64: 10>, scalar_prefetch = 0 : i64, scratch_operands = 0 : i64, tpu.core_type = #tpu.core_type<tc>, window_params = [{transform_indices = @transform_0, window_bounds = array<i64: 1000, 128>}, {transform_indices = @transform_1, window_bounds = array<i64: 1000, 1>}, {pipeline_mode = #tpu.pipeline_mode<synchronous>, transform_indices = @transform_2, window_bounds = array<i64: 3, 128, 128>}, {transform_indices = @transform_3, window_bounds = array<i64: 1000, 128>}]} {
    %get3A = arith.constant 0 : index
    %get3A_0 = arith.constant 0 : index
    %get3A_1 = vector.load %arg1[%get3A, %get3A_0] : memref<1000x128xf32, #tpu.memory_space<vmem>>, vector<1000x128xf32>
    %get3A_2 = arith.constant 0 : index
    %get3A_3 = arith.constant 0 : index
    %get3A_4 = arith.constant 0 : index
    %get3A_5 = vector.load %arg3[%get3A_2, %get3A_3, %get3A_4] : memref<3x128x128xf32, #tpu.memory_space<vmem>>, vector<1x128x128xf32>
    %get3A_6 = vector.shape_cast %get3A_5 : vector<1x128x128xf32> to vector<128x128xf32>
    %dot_general3A = arith.constant dense<0.000000e+00> : vector<1000x128xf32>
    %dot_general3A_7 = tpu.matmul %get3A_1, %get3A_6, %dot_general3A {dimension_numbers = #tpu.dot_dimension_numbers<[1], [0], [0], [1], [0, 0, 1, 1], [], []>, transpose_lhs_hint = false} : vector<1000x128xf32>, vector<128x128xf32>, vector<1000x128xf32> -> vector<1000x128xf32>
    %get3A_8 = arith.constant 1 : index
    %get3A_9 = arith.constant 0 : index
    %get3A_10 = arith.constant 0 : index
    %get3A_11 = vector.load %arg3[%get3A_8, %get3A_9, %get3A_10] : memref<3x128x128xf32, #tpu.memory_space<vmem>>, vector<1x128x128xf32>
    %get3A_12 = vector.shape_cast %get3A_11 : vector<1x128x128xf32> to vector<128x128xf32>
    %dot_general3A_13 = arith.constant dense<0.000000e+00> : vector<1000x128xf32>
    %dot_general3A_14 = tpu.matmul %get3A_1, %get3A_12, %dot_general3A_13 {dimension_numbers = #tpu.dot_dimension_numbers<[1], [0], [0], [1], [0, 0, 1, 1], [], []>, transpose_lhs_hint = false} : vector<1000x128xf32>, vector<128x128xf32>, vector<1000x128xf32> -> vector<1000x128xf32>
    %get3A_15 = arith.constant 2 : index
    %get3A_16 = arith.constant 0 : index
    %get3A_17 = arith.constant 0 : index
    %get3A_18 = vector.load %arg3[%get3A_15, %get3A_16, %get3A_17] : memref<3x128x128xf32, #tpu.memory_space<vmem>>, vector<1x128x128xf32>
    %get3A_19 = vector.shape_cast %get3A_18 : vector<1x128x128xf32> to vector<128x128xf32>
    %dot_general3A_20 = arith.constant dense<0.000000e+00> : vector<1000x128xf32>
    %dot_general3A_21 = tpu.matmul %get3A_1, %get3A_19, %dot_general3A_20 {dimension_numbers = #tpu.dot_dimension_numbers<[1], [0], [0], [1], [0, 0, 1, 1], [], []>, transpose_lhs_hint = false} : vector<1000x128xf32>, vector<128x128xf32>, vector<1000x128xf32> -> vector<1000x128xf32>
    %get3A_22 = arith.constant 0 : index
    %get3A_23 = arith.constant 0 : index
    %get3A_24 = vector.load %arg2[%get3A_22, %get3A_23] : memref<1000x1xi32, #tpu.memory_space<vmem>>, vector<1000x1xi32>
    %eq3A = arith.constant 0 : i32
    %eq3A_25 = vector.broadcast %eq3A : i32 to vector<1000x1xi32>
    %eq3A_26 = arith.cmpi eq, %get3A_24, %eq3A_25 : vector<1000x1xi32>
    %eq3A_27 = arith.constant 1 : i32
    %eq3A_28 = vector.broadcast %eq3A_27 : i32 to vector<1000x1xi32>
    %eq3A_29 = arith.cmpi eq, %get3A_24, %eq3A_28 : vector<1000x1xi32>
    %broadcast_in_dim3A = vector.shape_cast %eq3A_29 : vector<1000x1xi1> to vector<1000x1xi1>
    %broadcast_in_dim3A_30 = vector.broadcast %broadcast_in_dim3A : vector<1000x1xi1> to vector<1000x128xi1>
    %select_n3A = arith.select %broadcast_in_dim3A_30, %dot_general3A_14, %dot_general3A_21 : vector<1000x128xi1>, vector<1000x128xf32>
    %broadcast_in_dim3A_31 = vector.shape_cast %eq3A_26 : vector<1000x1xi1> to vector<1000x1xi1>
    %broadcast_in_dim3A_32 = vector.broadcast %broadcast_in_dim3A_31 : vector<1000x1xi1> to vector<1000x128xi1>
    %select_n3A_33 = arith.select %broadcast_in_dim3A_32, %dot_general3A_7, %select_n3A : vector<1000x128xi1>, vector<1000x128xf32>
    %swap3A = arith.constant 0 : index
    %swap3A_34 = arith.constant 0 : index
    %swap3A_35 = vector.load %arg4[%swap3A, %swap3A_34] : memref<1000x128xf32, #tpu.memory_space<vmem>>, vector<1000x128xf32>
    tpu.vector_store %arg4[%swap3A, %swap3A_34], %select_n3A_33 {strides = array<i32>} : memref<1000x128xf32, #tpu.memory_space<vmem>>, vector<1000x128xf32>,
    return
  }
  func.func @transform_0(%arg0: i32) -> (i32, i32) {
    %c0_i32 = arith.constant 0 : i32
    %c0_i32_0 = arith.constant 0 : i32
    return %arg0, %c0_i32 : i32, i32
  }
  func.func @transform_1(%arg0: i32) -> (i32, i32) {
    %c0_i32 = arith.constant 0 : i32
    %c0_i32_0 = arith.constant 0 : i32
    return %arg0, %c0_i32 : i32, i32
  }
  func.func @transform_2(%arg0: i32) -> (i32, i32, i32) {
    %c0_i32 = arith.constant 0 : i32
    %c0_i32_0 = arith.constant 0 : i32
    %c0_i32_1 = arith.constant 0 : i32
    %c0_i32_2 = arith.constant 0 : i32
    return %c0_i32, %c0_i32_0, %c0_i32_1 : i32, i32, i32
  }
  func.func @transform_3(%arg0: i32) -> (i32, i32) {
    %c0_i32 = arith.constant 0 : i32
    %c0_i32_0 = arith.constant 0 : i32
    return %arg0, %c0_i32 : i32, i32
  }
}

module attributes {stable_mosaic.version = 14 : i64} {
  func.func @_final_body(%arg0: i32, %arg1: memref<2x1000x128xf32, #tpu.memory_space<vmem>>, %arg2: memref<2x1000x64xf32, #tpu.memory_space<vmem>>, %arg3: memref<1000x128xf32, #tpu.memory_space<vmem>>, %arg4: memref<128x128xf32, #tpu.memory_space<vmem>>, %arg5: memref<128x128xf32, #tpu.memory_space<vmem>>, %arg6: memref<1x128xf32, #tpu.memory_space<vmem>>, %arg7: memref<1000x128xf32, #tpu.memory_space<vmem>>) attributes {dimension_semantics = [#tpu.dimension_semantics<arbitrary>], iteration_bounds = array<i64: 10>, scalar_prefetch = 0 : i64, scratch_operands = 0 : i64, tpu.core_type = #tpu.core_type<tc>, window_params = [{transform_indices = @transform_0, window_bounds = array<i64: 2, 1000, 128>}, {transform_indices = @transform_1, window_bounds = array<i64: 2, 1000, 64>}, {transform_indices = @transform_2, window_bounds = array<i64: 1000, 128>}, {pipeline_mode = #tpu.pipeline_mode<synchronous>, transform_indices = @transform_3, window_bounds = array<i64: 128, 128>}, {pipeline_mode = #tpu.pipeline_mode<synchronous>, transform_indices = @transform_4, window_bounds = array<i64: 128, 128>}, {pipeline_mode = #tpu.pipeline_mode<synchronous>, transform_indices = @transform_5, window_bounds = array<i64: 1, 128>}, {transform_indices = @transform_6, window_bounds = array<i64: 1000, 128>}]} {
    %get3A = arith.constant 0 : index
    %get3A_0 = arith.constant 0 : index
    %get3A_1 = arith.constant 0 : index
    %get3A_2 = vector.load %arg2[%get3A, %get3A_0, %get3A_1] : memref<2x1000x64xf32, #tpu.memory_space<vmem>>, vector<1x1000x64xf32>
    %get3A_3 = vector.shape_cast %get3A_2 : vector<1x1000x64xf32> to vector<1000x64xf32>
    %get3A_4 = arith.constant 1 : index
    %get3A_5 = arith.constant 0 : index
    %get3A_6 = arith.constant 0 : index
    %get3A_7 = vector.load %arg2[%get3A_4, %get3A_5, %get3A_6] : memref<2x1000x64xf32, #tpu.memory_space<vmem>>, vector<1x1000x64xf32>
    %get3A_8 = vector.shape_cast %get3A_7 : vector<1x1000x64xf32> to vector<1000x64xf32>
    %concatenate3A = tpu.concatenate %get3A_3, %get3A_8 in 1 : vector<1000x64xf32>, vector<1000x64xf32> -> vector<1000x128xf32>
    %get3A_9 = arith.constant 0 : index
    %get3A_10 = arith.constant 0 : index
    %get3A_11 = arith.constant 0 : index
    %get3A_12 = vector.load %arg1[%get3A_9, %get3A_10, %get3A_11] : memref<2x1000x128xf32, #tpu.memory_space<vmem>>, vector<1x1000x128xf32>
    %get3A_13 = vector.shape_cast %get3A_12 : vector<1x1000x128xf32> to vector<1000x128xf32>
    %get3A_14 = arith.constant 1 : index
    %get3A_15 = arith.constant 0 : index
    %get3A_16 = arith.constant 0 : index
    %get3A_17 = vector.load %arg1[%get3A_14, %get3A_15, %get3A_16] : memref<2x1000x128xf32, #tpu.memory_space<vmem>>, vector<1x1000x128xf32>
    %get3A_18 = vector.shape_cast %get3A_17 : vector<1x1000x128xf32> to vector<1000x128xf32>
    %add3A = arith.addf %get3A_13, %get3A_18 : vector<1000x128xf32>
    %get3A_19 = arith.constant 0 : index
    %get3A_20 = arith.constant 0 : index
    %get3A_21 = vector.load %arg4[%get3A_19, %get3A_20] : memref<128x128xf32, #tpu.memory_space<vmem>>, vector<128x128xf32>
    %dot_general3A = arith.constant dense<0.000000e+00> : vector<1000x128xf32>
    %dot_general3A_22 = tpu.matmul %concatenate3A, %get3A_21, %dot_general3A {dimension_numbers = #tpu.dot_dimension_numbers<[1], [0], [0], [1], [0, 0, 1, 1], [], []>, transpose_lhs_hint = false} : vector<1000x128xf32>, vector<128x128xf32>, vector<1000x128xf32> -> vector<1000x128xf32>
    %add3A_23 = arith.addf %add3A, %dot_general3A_22 : vector<1000x128xf32>
    %iota3A = tpu.iota {dimensions = array<i32: 1>} : vector<1000x128xi32>
    %ge3A = arith.constant 120 : i32
    %ge3A_24 = vector.broadcast %ge3A : i32 to vector<1000x128xi32>
    %ge3A_25 = arith.cmpi sge, %iota3A, %ge3A_24 : vector<1000x128xi32>
    %lt3A = arith.constant 125 : i32
    %lt3A_26 = vector.broadcast %lt3A : i32 to vector<1000x128xi32>
    %lt3A_27 = arith.cmpi slt, %iota3A, %lt3A_26 : vector<1000x128xi32>
    %and3A = arith.andi %ge3A_25, %lt3A_27 : vector<1000x128xi1>
    %jit3A = arith.constant 0.000000e+00 : f32
    %broadcast_in_dim3A = vector.broadcast %jit3A : f32 to vector<1000x128xf32>
    %select_n3A = arith.select %and3A, %concatenate3A, %broadcast_in_dim3A : vector<1000x128xi1>, vector<1000x128xf32>
    %reduce_sum3A = arith.constant dense<0.000000e+00> : vector<1000xf32>
    %reduce_sum3A_28 = vector.multi_reduction <add>, %select_n3A, %reduce_sum3A [1] : vector<1000x128xf32> to vector<1000xf32>
    %broadcast_in_dim3A_29 = vector.shape_cast %reduce_sum3A_28 : vector<1000xf32> to vector<1000x1xf32>
    %max3A = arith.constant 1.000000e+00 : f32
    %max3A_30 = vector.broadcast %max3A : f32 to vector<1000x1xf32>
    %max3A_31 = arith.maximumf %broadcast_in_dim3A_29, %max3A_30 : vector<1000x1xf32>
    %div3A = vector.broadcast %max3A_31 : vector<1000x1xf32> to vector<1000x128xf32>
    %div3A_32 = arith.divf %add3A_23, %div3A : vector<1000x128xf32>
    %get3A_33 = arith.constant 0 : index
    %get3A_34 = arith.constant 0 : index
    %get3A_35 = vector.load %arg5[%get3A_33, %get3A_34] : memref<128x128xf32, #tpu.memory_space<vmem>>, vector<128x128xf32>
    %dot_general3A_36 = arith.constant dense<0.000000e+00> : vector<1000x128xf32>
    %dot_general3A_37 = tpu.matmul %div3A_32, %get3A_35, %dot_general3A_36 {dimension_numbers = #tpu.dot_dimension_numbers<[1], [0], [0], [1], [0, 0, 1, 1], [], []>, transpose_lhs_hint = false} : vector<1000x128xf32>, vector<128x128xf32>, vector<1000x128xf32> -> vector<1000x128xf32>
    %get3A_38 = arith.constant 0 : index
    %get3A_39 = arith.constant 0 : index
    %get3A_40 = vector.load %arg6[%get3A_38, %get3A_39] : memref<1x128xf32, #tpu.memory_space<vmem>>, vector<1x128xf32>
    %add3A_41 = vector.broadcast %get3A_40 : vector<1x128xf32> to vector<1000x128xf32>
    %add3A_42 = arith.addf %dot_general3A_37, %add3A_41 : vector<1000x128xf32>
    %integer_pow3A = arith.mulf %add3A_42, %add3A_42 : vector<1000x128xf32>
    %integer_pow3A_43 = arith.mulf %add3A_42, %integer_pow3A : vector<1000x128xf32>
    %mul3A = arith.constant 4.471500e-02 : f32
    %mul3A_44 = vector.broadcast %mul3A : f32 to vector<1000x128xf32>
    %mul3A_45 = arith.mulf %mul3A_44, %integer_pow3A_43 : vector<1000x128xf32>
    %add3A_46 = arith.addf %add3A_42, %mul3A_45 : vector<1000x128xf32>
    %mul3A_47 = arith.constant 0.797884583 : f32
    %mul3A_48 = vector.broadcast %mul3A_47 : f32 to vector<1000x128xf32>
    %mul3A_49 = arith.mulf %mul3A_48, %add3A_46 : vector<1000x128xf32>
    %tanh3A = math.tanh %mul3A_49 : vector<1000x128xf32>
    %add3A_50 = arith.constant 1.000000e+00 : f32
    %add3A_51 = vector.broadcast %add3A_50 : f32 to vector<1000x128xf32>
    %add3A_52 = arith.addf %add3A_51, %tanh3A : vector<1000x128xf32>
    %mul3A_53 = arith.constant 5.000000e-01 : f32
    %mul3A_54 = vector.broadcast %mul3A_53 : f32 to vector<1000x128xf32>
    %mul3A_55 = arith.mulf %mul3A_54, %add3A_52 : vector<1000x128xf32>
    %mul3A_56 = arith.mulf %add3A_42, %mul3A_55 : vector<1000x128xf32>
    %get3A_57 = arith.constant 0 : index
    %get3A_58 = arith.constant 0 : index
    %get3A_59 = vector.load %arg3[%get3A_57, %get3A_58] : memref<1000x128xf32, #tpu.memory_space<vmem>>, vector<1000x128xf32>
    %add3A_60 = arith.addf %mul3A_56, %get3A_59 : vector<1000x128xf32>
    %swap3A = arith.constant 0 : index
    %swap3A_61 = arith.constant 0 : index
    %swap3A_62 = vector.load %arg7[%swap3A, %swap3A_61] : memref<1000x128xf32, #tpu.memory_space<vmem>>, vector<1000x128xf32>
    tpu.vector_store %arg7[%swap3A, %swap3A_61], %add3A_60 {strides = array<i32>} : memref<1000x128xf32, #tpu.memory_space<vmem>>, vector<1000x128xf32>,
    return
  }
  func.func @transform_0(%arg0: i32) -> (i32, i32, i32) {
    %c0_i32 = arith.constant 0 : i32
    %c0_i32_0 = arith.constant 0 : i32
    %c0_i32_1 = arith.constant 0 : i32
    return %c0_i32, %arg0, %c0_i32_0 : i32, i32, i32
  }
  func.func @transform_1(%arg0: i32) -> (i32, i32, i32) {
    %c0_i32 = arith.constant 0 : i32
    %c0_i32_0 = arith.constant 0 : i32
    %c0_i32_1 = arith.constant 0 : i32
    return %c0_i32, %arg0, %c0_i32_0 : i32, i32, i32
  }
  func.func @transform_2(%arg0: i32) -> (i32, i32) {
    %c0_i32 = arith.constant 0 : i32
    %c0_i32_0 = arith.constant 0 : i32
    return %arg0, %c0_i32 : i32, i32
  }
  func.func @transform_3(%arg0: i32) -> (i32, i32) {
    %c0_i32 = arith.constant 0 : i32
    %c0_i32_0 = arith.constant 0 : i32
    %c0_i32_1 = arith.constant 0 : i32
    return %c0_i32, %c0_i32_0 : i32, i32
  }
  func.func @transform_4(%arg0: i32) -> (i32, i32) {
    %c0_i32 = arith.constant 0 : i32
    %c0_i32_0 = arith.constant 0 : i32
    %c0_i32_1 = arith.constant 0 : i32
    return %c0_i32, %c0_i32_0 : i32, i32
  }
  func.func @transform_5(%arg0: i32) -> (i32, i32) {
    %c0_i32 = arith.constant 0 : i32
    %c0_i32_0 = arith.constant 0 : i32
    %c0_i32_1 = arith.constant 0 : i32
    return %c0_i32, %c0_i32_0 : i32, i32
  }
  func.func @transform_6(%arg0: i32) -> (i32, i32) {
    %c0_i32 = arith.constant 0 : i32
    %c0_i32_0 = arith.constant 0 : i32
    return %arg0, %c0_i32 : i32, i32
  }
}

</mosaic_0001>

<sc_bundles>
// kernel: kernel.5.cloned.1.call-start
scs
__scs_entry_jumppad:
0x0: {  	(pc) =	sbr.rel $0x88, $3  }
0x1: {  	(tag) =	ssettag $0x0;
	lr =	simm.s32 $0x1  }
0x2: {  	[smem:$0x3F97] =	sst lr;
	_ =	strace $0xD0000000  }
0x3: {  	_ = 	snop  }
0x4: {  	_ = 	snop  }
0x5: {  	_ = 	snop  }
0x6: {  	_ = 	snop  }
0x7: {  	_ = 	snop  }
__scs_overlays_trampoline_lowered:
0x8: {  	[smem:$0x3FA6] =	sst s0  }
0x9: {  	[smem:$0x3FA7] =	sst s1  }
0xa: {  	[smem:$0x3FA8] =	sst s2  }
0xb: {  	[smem:$0x3FA9] =	sst s3  }
0xc: {  	[smem:$0x3FAA] =	sst s4  }
0xd: {  	[smem:$0x3FAB] =	sst s5  }
0xe: {  	[smem:$0x3FAC] =	sst s6  }
0xf: {  	[smem:$0x3FAD] =	sst s7  }
0x10: {  	[smem:$0x3FAE] =	sst s8  }
0x11: {  	[smem:$0x3FAF] =	sst s9;
	s0 =	simm.s32 @!p0 $0x0  }
0x12: {  	s1 =	sld [smem:$0x3F95];
	s0 =	simm.s32 @p0 $0x1  }
0x13: {  	[smem:$0x3FB0] =	sst s0;
	s0 =	simm.s32 @!p1 $0x0  }
0x14: {  	s2 =	sld [smem:$0x3F94];
	s0 =	simm.s32 @p1 $0x1  }
0x15: {  	[smem:$0x3FB1] =	sst s0;
	s0 =	simm.s32 @!p2 $0x0  }
0x16: {  	s3 =	sld [smem:$0x3FDB];
	s0 =	simm.s32 @p2 $0x1  }
0x17: {  	s4 =	simm.s32 $0x1BF5;
	[smem:$0x3FB3] =	sst s0  }
0x18: {  	s0 =	sld [smem:$0x3F96];
	_ =	swait.ge [sflag:s4], $0x0  }
0x19: {  	s7 =	sld [smem:$0x3F97]  }
0x1a: {  	s8 =	sadd.s32 $0xFFFFE003, lr  }
0x1b: {  	s9 =	sadd.s32 $0xFFFFFEF7, lr;
	s5 =	simm.s32 $0xFFFFFFFF;
	p2 =	slt.u32 s8, $0xFFFFF086  }
0x1c: {  	p1 =	slt.u32 s9, $0xF7A;
	s5 =	simm.s32 @!p2 $0x0  }
0x1d: {  	s5 =	simm.s32 @p1 $0x1;
	p0 =	seq.s32 s7, s2  }
0x1e: {  	s7 =	smul.u32 @!p0 $0xF7A, s2;
	p2 =	seq.s32 @!p0 s5, $0x0  }
0x1f: {  	s9 =	smul.u32 $0xF7A, s1;
	s8 =	simm.s32 @!p0 $0x1BF5;
	p2 =	por !p2, p0  }
0x20: {  	[sflag:s8] =	ssyncset.s32 @!p0 $0xFFFFF086;
	s6 =	sadd.s32 @!p0 s3, s7;
	s7 =	simm.s32 @!p0 $0x108  }
0x21: {  	s3 =	sadd.s32 s3, s9;
	s6 =	sadd.s32 @!p0 $0x88, s6;
	s7 =	simm.s32 @p2 $0x1082  }
0x22: {  	[simem:s7], [sflag:s8] =	dma.local @!p0 [hbm:s6], $0xF7A  }
0x23: {  	s9 =	sor.u32 $0xD0000000, s2;
	s6 =	simm.s32 $0x108;
	_ =	swait.ge @!p0 [sflag:s8], $0x0  }
0x24: {  	s3 =	sadd.s32 $0x88, s3;
	s6 =	simm.s32 @!p1 $0x1082;
	[sflag:s4] =	ssyncset.s32 $0xFFFFF086  }
0x25: {  	[simem:s6], [sflag:s4] =	dma.local [hbm:s3], $0xF7A  }
0x26: {  	[smem:$0x3F97] =	sst s1;
	(tag) =	ssettag s2;
	_ =	strace s9  }
0x27: {  	s1 =	sld [smem:$0x3FA7]  }
0x28: {  	s2 =	sld [smem:$0x3FA8]  }
0x29: {  	s4 =	sld [smem:$0x3FAA]  }
0x2a: {  	p0 =	seq.s32 s5, $0x0;
	s5 =	sld [smem:$0x3FAB]  }
0x2b: {  	s6 =	sld [smem:$0x3FAC]  }
0x2c: {  	s7 =	sld [smem:$0x3FAD]  }
0x2d: {  	s3 =	simm.s32 $0x108;
	s8 =	sld [smem:$0x3FAE]  }
0x2e: {  	s3 =	simm.s32 @!p0 $0x1082;
	s9 =	sld [smem:$0x3FAF]  }
0x2f: {  	lr =	sadd.s32 s0, s3;
	s0 =	sld [smem:$0x3FA6]  }
0x30: {  	s3 =	sld [smem:$0x3FA9]  }
0x31: {  	[smem:$0x3FB2] =	sst s10  }
0x32: {  	s10 =	sld [smem:$0x3FB0];
	_ =	sdelay $0x3  }
0x33: {  	p0 =	seq.s32 s10, $0x1;
	s10 =	sld [smem:$0x3FB2];
	_ =	sdelay $0x3  }
0x34: {  	[smem:$0x3FB2] =	sst s10  }
0x35: {  	s10 =	sld [smem:$0x3FB1];
	_ =	sdelay $0x3  }
0x36: {  	p1 =	seq.s32 s10, $0x1;
	s10 =	sld [smem:$0x3FB2];
	_ =	sdelay $0x3  }
0x37: {  	[smem:$0x3FB2] =	sst s10  }
0x38: {  	s10 =	sld [smem:$0x3FB3]  }
0x39: {  	_ = 	snop;
	(pc) =	sbr.ind lr, $3  }
0x3a: {  	_ = 	snop  }
0x3b: {  	_ = 	snop  }
0x3c: {  	p2 =	seq.s32 s10, $0x1;
	s10 =	sld [smem:$0x3FB2]  }
0x3d: {  	_ =	shalt  }
0x3e: {  	_ =	shalt  }
0x3f: {  	_ =	shalt  }
0x40: {  	_ =	shalt  }
0x41: {  	_ =	shalt  }
0x42: {  	_ =	shalt  }
0x43: {  	_ =	shalt  }
0x44: {  	_ =	shalt  }
0x45: {  	_ =	shalt  }
0x46: {  	_ =	shalt  }
0x47: {  	_ =	shalt  }
0x48: {  	_ =	shalt  }
0x49: {  	_ =	shalt  }
0x4a: {  	_ =	shalt  }
0x4b: {  	_ =	shalt  }
0x4c: {  	_ =	shalt  }
0x4d: {  	_ =	shalt  }
0x4e: {  	_ =	shalt  }
0x4f: {  	_ =	shalt  }
0x50: {  	_ =	shalt  }
0x51: {  	_ =	shalt  }
0x52: {  	_ =	shalt  }
0x53: {  	_ =	shalt  }
0x54: {  	_ =	shalt  }
0x55: {  	_ =	shalt  }
0x56: {  	_ =	shalt  }
0x57: {  	_ =	shalt  }
0x58: {  	_ =	shalt  }
0x59: {  	_ =	shalt  }
0x5a: {  	_ =	shalt  }
0x5b: {  	_ =	shalt  }
0x5c: {  	_ =	shalt  }
0x5d: {  	_ =	shalt  }
0x5e: {  	_ =	shalt  }
0x5f: {  	_ =	shalt  }
0x60: {  	_ =	shalt  }
0x61: {  	_ =	shalt  }
0x62: {  	_ =	shalt  }
0x63: {  	_ =	shalt  }
0x64: {  	_ =	shalt  }
0x65: {  	_ =	shalt  }
0x66: {  	_ =	shalt  }
0x67: {  	_ =	shalt  }
0x68: {  	_ =	shalt  }
0x69: {  	_ =	shalt  }
0x6a: {  	_ =	shalt  }
0x6b: {  	_ =	shalt  }
0x6c: {  	_ =	shalt  }
0x6d: {  	_ =	shalt  }
0x6e: {  	_ =	shalt  }
0x6f: {  	_ =	shalt  }
0x70: {  	_ =	shalt  }
0x71: {  	_ =	shalt  }
0x72: {  	_ =	shalt  }
0x73: {  	_ =	shalt  }
0x74: {  	_ =	shalt  }
0x75: {  	_ =	shalt  }
0x76: {  	_ =	shalt  }
0x77: {  	_ =	shalt  }
0x78: {  	_ =	shalt  }
0x79: {  	_ =	shalt  }
0x7a: {  	_ =	shalt  }
0x7b: {  	_ =	shalt  }
0x7c: {  	_ =	shalt  }
0x7d: {  	_ =	shalt  }
0x7e: {  	_ =	shalt  }
0x7f: {  	_ =	shalt  }
0x80: {  	_ =	shalt  }
0x81: {  	_ =	shalt  }
0x82: {  	_ =	shalt  }
0x83: {  	_ =	shalt  }
0x84: {  	_ =	shalt  }
0x85: {  	_ =	shalt  }
0x86: {  	_ =	shalt  }
0x87: {  	_ =	shalt  }
.Lfunc_end0:
.L_simem_size_0:
called_computation_lowered:
.L_overlay_start_0:
0x88: {  	s2 =	sld [smem:$0x3FD9]  }
0x89: {  	s3 =	sld [smem:$0x3FFE];
	_ =	sdelay $0x1  }
0x8a: {  	s1 =	srdreg.scid  }
0x8b: {  	s0 =	sand.u32 $0x1, s1  }
0x8c: {  	s17 =	sshll.u32 s0, $0xA;
	s2 =	sadd.s32 s3, s2  }
0x8d: {  	s2 =	sadd.s32 s2, s17  }
0x8e: {  	[smem:$0x3FBE] =	sst s2  }
0x8f: {  	_ = 	snop  }
0x90: {  	s2 =	sld [smem:$0x3FD0];
	(tm) =	ssettm $0x1  }
0x91: {  	s18 =	sld [smem:$0x3FFB];
	_ =	sdelay $0x3  }
0x92: {  	_ =	strace s18  }
0x93: {  	s3 =	sld [smem:$0x3FFC];
	_ =	sdelay $0x3  }
0x94: {  	_ =	strace s3  }
0x95: {  	s3 =	sld [smem:$0x3FFD];
	_ =	sdelay $0x3  }
0x96: {  	_ =	strace s3  }
0x97: {  	_ =	strace $0x8FFFFFFF  }
0x98: {  	s19 =	sld [smem:$0x3FDB];
	_ =	sdelay $0x1  }
0x99: {  	s4 =	simm.s32 $_scs_section_size  }
0x9a: {  	s5 =	simm.s32 $_size__tile_overlayer_lowered;
	s6 =	simm.s32 $_tile_overlayer_lowered  }
0x9b: {  	s22 =	simm.s32 $0x1BFF;
	s21 =	sshll.u32 s6, $0x1;
	s3 =	sadd.s32 s4, s19  }
0x9c: {  	s7 =	simm.s32 $0x0;
	s20 =	sshll.u32 s5, $0x1;
	s5 =	sadd.s32 s21, s3  }
0x9d: {  	[timem:s7], [sflag:s22] =	dma.local [hbm:s5], s20  }
0x9e: {  	_ =	swait.ge [sflag:s22], s20  }
0x9f: {  	s4 =	ssub.s32 $0x0, s20;
	[sflag:s22] =	ssyncset.done $0x0  }
0xa0: {  	[sflag:s22] =	ssyncadd.s32 s4;
	_ =	sdelay $0x1  }
0xa1: {  	s23 =	simm.s32 $0x1B8B  }
0xa2: {  	_ =	swait.ge [sflag:s23], $0x1  }
0xa3: {  	[sflag:s23] =	ssyncset.done $0x0  }
0xa4: {  	s25 =	simm.s32 $0x1B8E;
	s24 =	sld [smem:$0x3FFE];
	[sflag:s23] =	ssyncadd.s32 $0xFFFFFFFF  }
0xa5: {  	s26 =	simm.s32 $execute0_lowered;
	[smem:$0x3FD2] =	sst s25  }
0xa6: {  	s5 =	sshll.u32 s26, $0x1;
	_ =	strace $0x80000046;
	[dreg:$0x1] =	wrdreg $0xFFFFFFFF  }
0xa7: {  	s28 =	simm.s32 $_size_execute0_lowered;
	s3 =	sadd.s32 s3, s5;
	[dreg:$0x0] =	wrdreg $0x0  }
0xa8: {  	s5 =	sshll.u32 s28, $0x1;
	[dreg:$0x2] =	wrdreg s3  }
0xa9: {  	[dreg:$0x3] =	wrdreg s5  }
0xaa: {  	[dreg:$0x4] =	wrdreg $0xC0  }
0xab: {  	_ =	task [dreg:s7], $0x5FFFF  }
0xac: {  	[dreg:$0x1] =	wrdreg $0xFFFFFFFF  }
0xad: {  	[dreg:$0x0] =	wrdreg $0x60  }
0xae: {  	[dreg:$0x2] =	wrdreg s2  }
0xaf: {  	[dreg:$0x3] =	wrdreg s24  }
0xb0: {  	[dreg:$0x4] =	wrdreg $0x0  }
0xb1: {  	[dreg:$0x5] =	wrdreg $0x13C000  }
0xb2: {  	[dreg:$0x6] =	wrdreg $0x9  }
0xb3: {  	_ =	task.clear_ibuf [dreg:s7], $0x7FFFF;
	_ =	strace $0x90000046  }
0xb4: {  	s29 =	simm.s32 $0x9;
	_ =	strace $0x80000048  }
0xb5: {  	_ =	swait.ge [sflag:s29], $0x1  }
0xb6: {  	[sflag:s29] =	ssyncadd.s32 $0xFFFFFFFF  }
0xb7: {  	_ =	strace $0x90000048  }
0xb8: {  	_ =	sfence  }
0xb9: {  	s30 =	sld [smem:$0x0];
	_ =	sdelay $0x2  }
0xba: {  	s31 =	sshll.u32 s1, $0xD;
	s1 =	sshrl.u32 s1, $0x2  }
0xbb: {  	s3 =	sand.u32 $0x4000, s31;
	s1 =	sadd.s32 s1, s30  }
0xbc: {  	s0 =	sor.u32 s3, s0;
	s1 =	sshll.u32 s1, $0x11  }
0xbd: {  	s0 =	sor.u32 s1, s0  }
0xbe: {  	s0 =	sadd.s32 $0x8F2B, s0  }
0xbf: {  	[sflag:s0] =	ssyncadd.remote.s32 $0x1  }
0xc0: {  	_ =	sfence.sel $0xFFFF  }
0xc1: {  	[dreg:$0x0] =	wrdreg $0xFFFFFFFF;
	(pc) =	sbr.abs _section_cstart, $3  }
0xc2: {  	[dreg:$0x1] =	wrdreg $0xFFFFFFFF  }
0xc3: {  	_ =	task.clear_ibuf [dreg:s7], $0x2FFFF;
	_ =	strace $0x9FFFFFFF  }
0xc4: {  	(tm) =	ssettm $0x7FFFFFFF  }
0xc5: {  	_ =	shalt  }
tec
execute0_lowered:
.L_overlay_start_1:
0x0: {  	(tag) =	ssettag $0x1  }
0x1: {  	s1 =	rddreg [dreg:$0x0]  }
0x2: {  	s0 =	rddreg [dreg:$0x1]  }
0x3: {  	s2 =	rddreg [dreg:$0x2]  }
0x4: {  	s3 =	rddreg [dreg:$0x3]  }
0x5: {  	s4 =	srdreg.scid;
	s5 =	simm.s32 $0x0;
	s6 =	stileid.u32  }
0x6: {  	s28 =	simm.s32 $0x1DB80;
	s29 =	simm.s32 $0x4;
	s8 =	smul.u32 $0x13C00, s6  }
0x7: {  	s4 =	sand.u32 $0x1, s4;
	[smem:$0x7FF] =	sst s5;
	s16 =	smul.u32 $0x13900, s6  }
0x8: {  	s14 =	sadd.s32 $0xC000, s0;
	s15 =	sadd.s32 $0x2200, s0;
	s12 =	smul.u32 $0x4F000, s6  }
0x9: {  	s9 =	sadd.s32 $0x15E00, s0;
	s17 =	sadd.s32 $0x18600, s0;
	s21 =	smul.u32 $0x27200, s6  }
0xa: {  	s24 =	smul.u32 $0x4F00, s6;
	_ =	strace $0x80000047;
	[dreg:$0x5] =	wrdreg s9  }
0xb: {  	s23 =	sshll.u32 s6, $0x6;
	s7 =	smul.u32 $0x13C000, s4;
	[dreg:$0x6] =	wrdreg s17  }
0xc: {  	s10 =	sshll.u32 s4, $0x7;
	s19 =	ssub.s32 $0x2, s4;
	s17 =	smul.u32 $0x9E0, s6  }
0xd: {  	p0 =	seq.s32 s4, $0x1;
	p1 =	seq.s32 s4, $0x0;
	s18 =	sor.u32 s10, s16  }
0xe: {  	s20 =	sshrl.u32 s19, $0x1;
	s22 =	sshrl.u32 s12, $0x2;
	s9 =	sshrl.u32 s21, $0x2  }
0xf: {  	s25 =	sshrl.u32 s24, $0x3;
	s21 =	simm.s32 $0x1;
	s24 =	simm.s32 $0x80  }
0x10: {  	s8 =	sadd.s32 s8, s7;
	s13 =	ssub.s32 s19, s20;
	s16 =	sadd.s32 s22, s2  }
0x11: {  	s19 =	sshll.u32 s4, $0x6;
	s26 =	sadd.s32 s14, s25;
	s30 =	sadd.s32 s15, s25  }
0x12: {  	s14 =	sadd.s32 s17, s14;
	s15 =	sadd.s32 s17, s15;
	s17 =	simm.s32 $0x5  }
0x13: {  	s22 =	simm.s32 $0x1D900;
	s25 =	simm.s32 $0x1DA80;
	[dreg:$0x7] =	wrdreg s26  }
0x14: {  	s8 =	sshrl.u32 s8, $0x3;
	[dreg:$0x8] =	wrdreg s30;
	s20 =	sadd.s32 $0x40, s19  }
0x15: {  	s13 =	smax.u32 s13, $0x1;
	s16 =	sshrl.u32 s16, $0x3;
	s26 =	simm.s32 $0x1DC80  }
0x16: {  	s11 =	sadd.s32 s8, s0;
	s8 =	sshrl.u32 s18, $0x3;
	s18 =	sadd.s32 s9, s3  }
0x17: {  	s0 =	sadd.s32 s8, s0;
	s8 =	sor.u32 $0x1C05, s23;
	s31 =	sadd.s32 $0x40C00, s11  }
0x18: {  	s18 =	sshrl.u32 s18, $0x3;
	[dreg:$0x9] =	wrdreg s31;
	s0 =	sadd.s32 $0x19A00, s0  }
0x19: {  	v2 =	vimm.f32 $1.000000000e+00;
	v0 =	vmov s19;
	v1 =	vmov s20;
	s23 =	simm.s32 $0x1DA00;
	[dreg:$0xa] =	wrdreg s0;
	s0 =	simm.s32 $0x0  }
.LBB2_1:
0x1a: {  	s4 =	rddreg [dreg:$0x5]  }
0x1b: {  	[spmem:s16], [sflag:s8] =	dma.local [hbm:s4], $0x2780  }
0x1c: {  	_ =	swait.ge [sflag:s17], $0x2780  }
0x1d: {  	[sflag:s17] =	ssyncset.done $0x0  }
0x1e: {  	s19 =	rddreg [dreg:$0x6];
	[sflag:s17] =	ssyncadd.s32 $0xFFFFD880  }
0x1f: {  	[spmem:s18], [sflag:s8] =	dma.local [hbm:s19], $0x1390  }
0x20: {  	_ =	swait.ge [sflag:s17], $0x1390  }
0x21: {  	[sflag:s17] =	ssyncset.done $0x0  }
0x22: {  	[sflag:s17] =	ssyncadd.s32 $0xFFFFEC70  }
0x23: {  	[tilespmem:$0x1DC80] =	vst v2  }
0x24: {  	[tilespmem:$0x1DC90] =	vst v2  }
0x25: {  	[tilespmem:$0x1DCA0] =	vst v2  }
0x26: {  	[tilespmem:$0x1DCB0] =	vst v2  }
0x27: {  	[tilespmem:$0x1DCC0] =	vst v2  }
0x28: {  	[tilespmem:$0x1DCD0] =	vst v2  }
0x29: {  	[tilespmem:$0x1DCE0] =	vst v2  }
0x2a: {  	[tilespmem:$0x1DCF0] =	vst v2  }
0x2b: {  	s6 =	simm.s32 $0x1D880;
	[bflag:$0x0] =	sbarrier.arrive $0xFFFF  }
0x2c: {  	s31 =	simm.s32 $0x1D980;
	s4 =	simm.s32 $0x1;
	s20 =	rddreg [dreg:$0x7]  }
0x2d: {  	[tilespmem:s6], [sflag:$0x1] =	stream.linear.gather [hbm4b:s20+s5], $0x80, $0x38;
	[tilespmem:$0x1FF00] =	vst v63  }
0x2e: {  	s19 =	simm.s32 $0x0;
	s30 =	rddreg [dreg:$0x8];
	s20 =	simm.s32 $0x0  }
0x2f: {  	[tilespmem:s31], [sflag:$0x1] =	stream.linear.gather [hbm4b:s30+s5], $0x80, $0x38;
	[tilespmem:$0x1FF00] =	vst v63  }
.LBB2_2:
0x30: {  	_ =	swait.ge [sflag:s21], $0x80  }
0x31: {  	[sflag:s21] =	ssyncset.done $0x0  }
0x32: {  	[sflag:s21] =	ssyncadd.s32 $0xFFFFFF80  }
0x33: {  	_ =	swait.ge [sflag:s21], $0x80  }
0x34: {  	s30 =	sadd.s32 s19, s14;
	[sflag:s21] =	ssyncset.done $0x0  }
0x35: {  	s31 =	sadd.s32 s19, s15;
	s30 =	sadd.s32 $0x10, s30;
	[sflag:s21] =	ssyncadd.s32 $0xFFFFFF80  }
0x36: {  	[tilespmem:s22], [sflag:$0x1] =	stream.linear.gather [hbm4b:s30+s5], $0x80, $0x38;
	[tilespmem:$0x1FF00] =	vst v63  }
0x37: {  	p2 =	seq.s32 s19, $0x0;
	s30 =	sadd.s32 $0x10, s31  }
0x38: {  	[tilespmem:s23], [sflag:$0x1] =	stream.linear.gather [hbm4b:s30+s5], $0x80, $0x38;
	[tilespmem:$0x1FF00] =	vst v63  }
0x39: {  	s30 =	simm.s32 @!p2 $0x4  }
0x3a: {  	_ =	swait.ge @!p2 [sflag:s30], $0x80  }
0x3b: {  	p3 =	por !p0, p2;
	[sflag:s30] =	ssyncset.done @!p2 $0x0  }
0x3c: {  	[sflag:s30] =	ssyncadd.s32 @!p2 $0xFFFFFF80;
	s30 =	simm.s32 @!p3 $0x4  }
0x3d: {  	_ =	swait.ge @!p3 [sflag:s30], $0x80  }
0x3e: {  	[sflag:s30] =	ssyncset.done @!p3 $0x0  }
0x3f: {  	[sflag:s30] =	ssyncadd.s32 @!p3 $0xFFFFFF80  }
0x40: {  	v3 =	vld [tilespmem:$0x1D980]  }
0x41: {  	v6 =	vld [tilespmem:$0x1D990]  }
0x42: {  	v23 =	vld [tilespmem:$0x1D9A0]  }
0x43: {  	v25 =	vld [tilespmem:$0x1D9B0]  }
0x44: {  	v16 =	vld [tilespmem:$0x1D9C0]  }
0x45: {  	v18 =	vld [tilespmem:$0x1D9D0]  }
0x46: {  	v37 =	vld [tilespmem:$0x1D9E0];
	v4 =	vshra.s32 v3, $0xA;
	v5 =	vshrl.u32 v3, $0x7  }
0x47: {  	v46 =	vld [tilespmem:$0x1D9F0];
	v3 =	vand.u32 $0x7F, v3;
	v22 =	vshra.s32 v6, $0xA;
	v9 =	vand.u32 $0x7F, v6  }
0x48: {  	v6 =	vshrl.u32 v6, $0x7;
	v24 =	vshra.s32 v23, $0xA;
	v12 =	vand.u32 $0x7F, v23  }
0x49: {  	v26 =	vshra.s32 v25, $0xA;
	v27 =	vand.u32 $0x7F, v25;
	v28 =	vshra.s32 v16, $0xA  }
0x4a: {  	v29 =	vand.u32 $0x7F, v16;
	v32 =	vshrl.u32 v16, $0x7;
	v36 =	vshra.s32 v18, $0xA  }
0x4b: {  	v38 =	vand.u32 $0x7F, v18;
	v39 =	vshrl.u32 v18, $0x7;
	v43 =	vshra.s32 v37, $0xA  }
0x4c: {  	v44 =	vand.u32 $0x7F, v37;
	v52 =	vshra.s32 v46, $0xA;
	v53 =	vand.u32 $0x7F, v46  }
0x4d: {  	v56 =	vshrl.u32 v46, $0x7;
	v5 =	vand.u32 $0x7, v5;
	v7 =	vshll.u32 v4, $0x6  }
0x4e: {  	vm0 =	vge.u32 v3, v0;
	vm1 =	vlt.u32 v3, v1;
	v10 =	vshll.u32 v22, $0x6  }
0x4f: {  	v6 =	vand.u32 $0x7, v6;
	vm10 =	vge.u32 v9, v0;
	vm11 =	vlt.u32 v9, v1  }
0x50: {  	v13 =	vshll.u32 v24, $0x6;
	vm12 =	vge.u32 v12, v0;
	vm13 =	vlt.u32 v12, v1  }
0x51: {  	v15 =	vshll.u32 v26, $0x6;
	vm14 =	vge.u32 v27, v0;
	vm15 =	vlt.u32 v27, v1  }
0x52: {  	vm4 =	vge.u32 v29, v0;
	vm5 =	vlt.u32 v29, v1;
	v33 =	vsub.s32 v29, v0  }
0x53: {  	[tilespmem:$0x1DD00] =	vst v4;
	v4 =	vand.u32 $0x7, v32;
	v40 =	vshll.u32 v36, $0x6;
	vm6 =	vge.u32 v38, v0  }
0x54: {  	vm7 =	vlt.u32 v38, v1;
	v45 =	vshll.u32 v43, $0x6;
	vm8 =	vge.u32 v44, v0  }
0x55: {  	vm9 =	vlt.u32 v44, v1;
	v48 =	vsub.s32 v44, v0;
	v54 =	vshll.u32 v52, $0x6  }
0x56: {  	v8 =	vadd.s32 v3, v7;
	vm0 =	vmand vm0, vm1;
	v3 =	vsub.s32 v3, v0  }
0x57: {  	v5 =	vor.u32 v7, v5;
	v11 =	vadd.s32 v9, v10;
	v9 =	vsub.s32 v9, v0  }
0x58: {  	v6 =	vor.u32 v10, v6;
	v14 =	vadd.s32 v12, v13;
	v12 =	vsub.s32 v12, v0  }
0x59: {  	v17 =	vadd.s32 v27, v15;
	v41 =	vadd.s32 v38, v40;
	v47 =	vadd.s32 v44, v45  }
0x5a: {  	v55 =	vadd.s32 v53, v54;
	v8 =	vand.u32 $0x3FF, v8;
	v3 =	vadd.s32 v7, v3  }
0x5b: {  	v5 =	vor.u32 $0x38, v5;
	v11 =	vand.u32 $0x3FF, v11;
	v9 =	vadd.s32 v10, v9  }
0x5c: {  	[tilespmem:$0x1DD10] =	vst v22;
	v6 =	vor.u32 $0x38, v6;
	v14 =	vand.u32 $0x3FF, v14;
	v12 =	vadd.s32 v13, v12  }
0x5d: {  	[tilespmem:$0x1DD80] =	vst v24;
	v17 =	vand.u32 $0x3FF, v17;
	v7 =	vsub.s32 v38, v0;
	v42 =	vand.u32 $0x3FF, v41  }
0x5e: {  	[tilespmem:$0x1DD90] =	vst v26;
	v49 =	vand.u32 $0x3FF, v47;
	v8 =	vor.u32 $0x9C400, v8;
	v11 =	vor.u32 $0x9C400, v11  }
0x5f: {  	[tilespmem:$0x1DE00] =	vst v28;
	v14 =	vor.u32 $0x9C400, v14;
	v17 =	vor.u32 $0x9C400, v17;
	v7 =	vadd.s32 v40, v7  }
0x60: {  	[tilespmem:$0x1DB10] =	vst v6;
	v6 =	vadd.s32 v45, v48;
	v50 =	vor.u32 $0x9C400, v49;
	v3 =	vsel vm0, v3, v8  }
0x61: {  	[tilespmem:$0x1DE10] =	vst v36;
	vm0 =	vmand vm10, vm11;
	v8 =	vshrl.u32 v23, $0x7;
	vm10 =	vge.u32 v53, v0  }
0x62: {  	[tilespmem:$0x1DE80] =	vst v43;
	vm11 =	vlt.u32 v53, v1;
	v9 =	vsel vm0, v9, v11;
	vm0 =	vmand vm12, vm13  }
0x63: {  	v8 =	vand.u32 $0x7, v8;
	v11 =	vshrl.u32 v25, $0x7;
	[tilespmem:$0x1DA80] =	vst v3;
	v3 =	vshll.u32 v28, $0x6  }
0x64: {  	[tilespmem:$0x1DE90] =	vst v52;
	v12 =	vsel vm0, v12, v14;
	v8 =	vor.u32 v13, v8;
	v13 =	vsub.s32 v27, v0  }
0x65: {  	[tilespmem:$0x1DB00] =	vst v5;
	vm0 =	vmand vm14, vm15;
	v11 =	vand.u32 $0x7, v11;
	v31 =	vadd.s32 v29, v3  }
0x66: {  	[tilespmem:$0x1DA90] =	vst v9;
	v34 =	vadd.s32 v3, v33;
	v3 =	vor.u32 v3, v4;
	v4 =	vand.u32 $0x3FF, v55  }
0x67: {  	v13 =	vadd.s32 v15, v13;
	v8 =	vor.u32 $0x38, v8;
	v11 =	vor.u32 v15, v11;
	[tilespmem:$0x1DAA0] =	vst v12  }
0x68: {  	v3 =	vor.u32 $0x38, v3;
	v4 =	vor.u32 $0x9C400, v4;
	v13 =	vsel vm0, v13, v17;
	[tilespmem:$0x1DB20] =	vst v8  }
0x69: {  	v30 =	vor.u32 $0x38, v11;
	vm0 =	vmand vm4, vm5;
	v11 =	vand.u32 $0x3FF, v31;
	[tilespmem:$0x1DB40] =	vst v3  }
0x6a: {  	v8 =	vor.u32 $0x9C400, v42;
	v3 =	vshrl.u32 v37, $0x7;
	v11 =	vor.u32 $0x9C400, v11;
	[tilespmem:$0x1DAB0] =	vst v13  }
0x6b: {  	[tilespmem:$0x1DB30] =	vst v30;
	v3 =	vand.u32 $0x7, v3;
	v35 =	vsel vm0, v34, v11;
	vm0 =	vmand vm6, vm7  }
0x6c: {  	v11 =	vand.u32 $0x7, v39;
	v3 =	vor.u32 v45, v3;
	v7 =	vsel vm0, v7, v8;
	[tilespmem:$0x1DAC0] =	vst v35  }
0x6d: {  	v11 =	vor.u32 v40, v11;
	vm0 =	vmand vm8, vm9;
	v3 =	vor.u32 $0x38, v3;
	[tilespmem:$0x1DAD0] =	vst v7  }
0x6e: {  	v6 =	vsel vm0, v6, v50;
	v51 =	vor.u32 $0x38, v11;
	v7 =	vsub.s32 v53, v0;
	[tilespmem:$0x1DB60] =	vst v3  }
0x6f: {  	vm0 =	vmand vm10, vm11;
	v3 =	vand.u32 $0x7, v56;
	[tilespmem:$0x1DB50] =	vst v51;
	v57 =	vadd.s32 v54, v7  }
0x70: {  	[tilespmem:$0x1DAE0] =	vst v6;
	v3 =	vor.u32 v54, v3;
	v4 =	vsel vm0, v57, v4  }
0x71: {  	v3 =	vor.u32 $0x38, v3;
	[tilespmem:$0x1DAF0] =	vst v4  }
0x72: {  	[tilespmem:$0x1DB70] =	vst v3  }
0x73: {  	[spmem:s3] =	stream.indirect.scatter.add.f32 [tilespmem:s26], [sflag:$0x4], $0x1, s25, s24, $0xb8;
	[tilespmem:$0x1FF00] =	vst v63  }
0x74: {  	s6 =	simm.s32 @p0 $0x1DB00;
	s31 =	simm.s32 @p0 $0x1DC80;
	s30 =	simm.s32 @p0 $0x80  }
0x75: {  	[spmem:s3] =	stream.indirect.scatter.add.f32 @p0 [tilespmem:s31], [sflag:$0x4], $0x1, s6, s30, $0xb8;
	[tilespmem:$0x1FF00] =	vst v63  }
0x76: {  	p4 =	sgt.u32 s20, $0x32;
	s7 =	simm.s32 $0x1;
	s6 =	simm.s32 $0x1  }
0x77: {  	s7 =	simm.s32 @!p1 $0x0;
	s6 =	simm.s32 @!p4 $0x0  }
0x78: {  	p4 =	seq.s32 s7, s6  }
0x79: {  	s6 =	simm.s32 @!p4 $0x20;
	s7 =	simm.s32 @!p4 $0x1D880;
	s9 =	simm.s32 @!p4 $0x1DF00  }
0x7a: {  	[tilespmem:s9], [sflag:$0x2] =	stream.indirect.gather @!p4 [hbm4b:s1+s6], $0x80, s7, s6, $0xb8;
	[tilespmem:$0x1FF00] =	vst v63  }
0x7b: {  	s10 =	simm.s32 @!p4 $0x1EF00;
	s7 =	simm.s32 @!p4 $0x1D8A0  }
0x7c: {  	[tilespmem:s10], [sflag:$0x2] =	stream.indirect.gather @!p4 [hbm4b:s1+s6], $0x80, s7, s6, $0xb8;
	[tilespmem:$0x1FF00] =	vst v63  }
0x7d: {  	s7 =	simm.s32 @!p4 $0x2  }
0x7e: {  	_ =	swait.ge @!p4 [sflag:s7], $0x1000  }
0x7f: {  	[sflag:s7] =	ssyncset.done @!p4 $0x0  }
0x80: {  	s11 =	simm.s32 @!p4 $0x1DD00;
	[sflag:s7] =	ssyncadd.s32 @!p4 $0xFFFFF000  }
0x81: {  	[spmem:s2] =	stream.indirect.scatter.add.f32 @!p4 [tilespmem:s9], [sflag:$0x3], $0x80, s11, s6, $0xb8;
	[tilespmem:$0x1FF00] =	vst v63  }
0x82: {  	_ =	swait.ge @!p4 [sflag:s7], $0x1000  }
0x83: {  	[sflag:s7] =	ssyncset.done @!p4 $0x0  }
0x84: {  	s11 =	simm.s32 @!p4 $0x1DD80;
	[sflag:s7] =	ssyncadd.s32 @!p4 $0xFFFFF000  }
0x85: {  	[spmem:s2] =	stream.indirect.scatter.add.f32 @!p4 [tilespmem:s10], [sflag:$0x3], $0x80, s11, s6, $0xb8;
	[tilespmem:$0x1FF00] =	vst v63  }
0x86: {  	s11 =	simm.s32 @!p4 $0x3  }
0x87: {  	_ =	swait.ge @!p4 [sflag:s11], $0x1000  }
0x88: {  	[sflag:s11] =	ssyncset.done @!p4 $0x0  }
0x89: {  	s12 =	simm.s32 @!p4 $0x1D8C0;
	[sflag:s11] =	ssyncadd.s32 @!p4 $0xFFFFF000  }
0x8a: {  	[tilespmem:s9], [sflag:$0x2] =	stream.indirect.gather @!p4 [hbm4b:s1+s6], $0x80, s12, s6, $0xb8;
	[tilespmem:$0x1FF00] =	vst v63  }
0x8b: {  	_ =	swait.ge @!p4 [sflag:s7], $0x1000  }
0x8c: {  	[sflag:s7] =	ssyncset.done @!p4 $0x0  }
0x8d: {  	s12 =	simm.s32 @!p4 $0x1DE00;
	[sflag:s7] =	ssyncadd.s32 @!p4 $0xFFFFF000  }
0x8e: {  	[spmem:s2] =	stream.indirect.scatter.add.f32 @!p4 [tilespmem:s9], [sflag:$0x3], $0x80, s12, s6, $0xb8;
	[tilespmem:$0x1FF00] =	vst v63  }
0x8f: {  	_ =	swait.ge @!p4 [sflag:s11], $0x1000  }
0x90: {  	[sflag:s11] =	ssyncset.done @!p4 $0x0  }
0x91: {  	s9 =	simm.s32 @!p4 $0x1D8E0;
	[sflag:s11] =	ssyncadd.s32 @!p4 $0xFFFFF000  }
0x92: {  	[tilespmem:s10], [sflag:$0x2] =	stream.indirect.gather @!p4 [hbm4b:s1+s6], $0x80, s9, s6, $0xb8;
	[tilespmem:$0x1FF00] =	vst v63  }
0x93: {  	_ =	swait.ge @!p4 [sflag:s7], $0x1000  }
0x94: {  	[sflag:s7] =	ssyncset.done @!p4 $0x0  }
0x95: {  	[sflag:s7] =	ssyncadd.s32 @!p4 $0xFFFFF000;
	s7 =	simm.s32 @!p4 $0x1DE80  }
0x96: {  	[spmem:s2] =	stream.indirect.scatter.add.f32 @!p4 [tilespmem:s10], [sflag:$0x3], $0x80, s7, s6, $0xb8;
	[tilespmem:$0x1FF00] =	vst v63  }
0x97: {  	_ =	swait.ge @!p4 [sflag:s11], $0x1000  }
0x98: {  	[sflag:s11] =	ssyncset.done @!p4 $0x0  }
0x99: {  	[sflag:s11] =	ssyncadd.s32 @!p4 $0xFFFFF000  }
0x9a: {  	_ =	swait.ge @!p4 [sflag:s11], $0x1000  }
0x9b: {  	[sflag:s11] =	ssyncset.done @!p4 $0x0  }
0x9c: {  	[sflag:s11] =	ssyncadd.s32 @!p4 $0xFFFFF000  }
0x9d: {  	_ =	swait.ge [sflag:s21], $0x80  }
0x9e: {  	[sflag:s21] =	ssyncset.done $0x0  }
0x9f: {  	[sflag:s21] =	ssyncadd.s32 $0xFFFFFF80  }
0xa0: {  	p4 =	seq.s32 s19, $0x9C0;
	_ =	swait.ge [sflag:s21], $0x80  }
0xa1: {  	s6 =	sadd.s32 @!p4 s19, s14;
	s7 =	simm.s32 @!p4 $0x0;
	[sflag:s21] =	ssyncset.done $0x0  }
0xa2: {  	s9 =	simm.s32 @!p4 $0x1D880;
	s6 =	sadd.s32 @!p4 $0x20, s6;
	[sflag:s21] =	ssyncadd.s32 $0xFFFFFF80  }
0xa3: {  	[tilespmem:s9], [sflag:$0x1] =	stream.linear.gather @!p4 [hbm4b:s6+s7], $0x80, $0x38;
	[tilespmem:$0x1FF00] =	vst v63  }
0xa4: {  	s6 =	sadd.s32 @!p4 s19, s15  }
0xa5: {  	p5 =	seq.s32 @!p4 s19, $0x0;
	s9 =	simm.s32 @!p4 $0x1D980;
	s6 =	sadd.s32 @!p4 $0x20, s6  }
0xa6: {  	[tilespmem:s9], [sflag:$0x1] =	stream.linear.gather @!p4 [hbm4b:s6+s7], $0x80, $0x38;
	[tilespmem:$0x1FF00] =	vst v63  }
0xa7: {  	p4 =	por p4, !p5  }
0xa8: {  	_ =	swait.ge @p4 [sflag:s29], $0x80  }
0xa9: {  	[sflag:s29] =	ssyncset.done @p4 $0x0  }
0xaa: {  	p5 =	por @!p3 $0x1, $0x1;
	[sflag:s29] =	ssyncadd.s32 @p4 $0xFFFFFF80;
	p4 =	por @!p2 $0x0, $0x0  }
0xab: {  	p4 =	por @!p3 p5, p5;
	p3 =	por $0x0, $0x0  }
0xac: {  	p3 =	por @!p2 p4, p4  }
0xad: {  	s6 =	simm.s32 @p3 $0x4  }
0xae: {  	_ =	swait.ge @p3 [sflag:s6], $0x80  }
0xaf: {  	[sflag:s6] =	ssyncset.done @p3 $0x0  }
0xb0: {  	[sflag:s6] =	ssyncadd.s32 @p3 $0xFFFFFF80  }
0xb1: {  	v3 =	vld [tilespmem:$0x1DA00]  }
0xb2: {  	v60 =	vld [tilespmem:$0x1DA10]  }
0xb3: {  	v19 =	vld [tilespmem:$0x1DA20]  }
0xb4: {  	v24 =	vld [tilespmem:$0x1DA30]  }
0xb5: {  	v31 =	vld [tilespmem:$0x1DA40]  }
0xb6: {  	v35 =	vld [tilespmem:$0x1DA50]  }
0xb7: {  	v43 =	vld [tilespmem:$0x1DA60];
	v58 =	vshra.s32 v3, $0xA;
	v59 =	vshrl.u32 v3, $0x7  }
0xb8: {  	v3 =	vand.u32 $0x7F, v3;
	v63 =	vshra.s32 v60, $0xA;
	v20 =	vand.u32 $0x7F, v60  }
0xb9: {  	v6 =	vshrl.u32 v60, $0x7;
	v23 =	vshra.s32 v19, $0xA;
	v25 =	vand.u32 $0x7F, v19  }
0xba: {  	v28 =	vshra.s32 v24, $0xA;
	v29 =	vand.u32 $0x7F, v24;
	v33 =	vshra.s32 v31, $0xA  }
0xbb: {  	v34 =	vand.u32 $0x7F, v31;
	v38 =	vshrl.u32 v31, $0x7;
	v42 =	vshra.s32 v35, $0xA  }
0xbc: {  	v44 =	vand.u32 $0x7F, v35;
	v45 =	vshrl.u32 v35, $0x7;
	v49 =	vshra.s32 v43, $0xA  }
0xbd: {  	v50 =	vand.u32 $0x7F, v43;
	v5 =	vand.u32 $0x7, v59;
	v61 =	vshll.u32 v58, $0x6  }
0xbe: {  	vm12 =	vge.u32 v3, v0;
	vm13 =	vlt.u32 v3, v1;
	v21 =	vshll.u32 v63, $0x6  }
0xbf: {  	v6 =	vand.u32 $0x7, v6;
	vm14 =	vge.u32 v20, v0;
	vm15 =	vlt.u32 v20, v1  }
0xc0: {  	v9 =	vsub.s32 v20, v0;
	v26 =	vshll.u32 v23, $0x6;
	vm4 =	vge.u32 v25, v0  }
0xc1: {  	v52 =	vld [tilespmem:$0x1DA70];
	vm5 =	vlt.u32 v25, v1;
	v12 =	vsub.s32 v25, v0;
	v30 =	vshll.u32 v28, $0x6  }
0xc2: {  	vm6 =	vge.u32 v29, v0;
	vm7 =	vlt.u32 v29, v1;
	v13 =	vsub.s32 v29, v0  }
0xc3: {  	vm8 =	vge.u32 v34, v0;
	vm9 =	vlt.u32 v34, v1;
	v39 =	vsub.s32 v34, v0  }
0xc4: {  	v4 =	vand.u32 $0x7, v38;
	v46 =	vshll.u32 v42, $0x6;
	vm10 =	vge.u32 v44, v0  }
0xc5: {  	vm11 =	vlt.u32 v44, v1;
	v7 =	vsub.s32 v44, v0;
	v51 =	vshll.u32 v49, $0x6  }
0xc6: {  	[tilespmem:$0x1DD00] =	vst v58;
	v54 =	vsub.s32 v50, v0;
	v58 =	vshra.s32 v52, $0xA;
	v59 =	vand.u32 $0x7F, v52  }
0xc7: {  	v62 =	vadd.s32 v3, v61;
	vm0 =	vmand vm12, vm13;
	v3 =	vsub.s32 v3, v0  }
0xc8: {  	v5 =	vor.u32 v61, v5;
	v22 =	vadd.s32 v20, v21;
	v9 =	vadd.s32 v21, v9  }
0xc9: {  	v6 =	vor.u32 v21, v6;
	v27 =	vadd.s32 v25, v26;
	v12 =	vadd.s32 v26, v12  }
0xca: {  	v32 =	vadd.s32 v29, v30;
	v13 =	vadd.s32 v30, v13;
	v47 =	vadd.s32 v44, v46  }
0xcb: {  	v7 =	vadd.s32 v46, v7;
	vm12 =	vge.u32 v50, v0;
	vm13 =	vlt.u32 v50, v1  }
0xcc: {  	v53 =	vadd.s32 v50, v51;
	v60 =	vshll.u32 v58, $0x6;
	v8 =	vand.u32 $0x3FF, v62  }
0xcd: {  	[tilespmem:$0x1DD10] =	vst v63;
	v3 =	vadd.s32 v61, v3;
	v5 =	vor.u32 $0x38, v5;
	v11 =	vand.u32 $0x3FF, v22  }
0xce: {  	[tilespmem:$0x1DD80] =	vst v23;
	v6 =	vor.u32 $0x38, v6;
	v14 =	vand.u32 $0x3FF, v27;
	v17 =	vand.u32 $0x3FF, v32  }
0xcf: {  	[tilespmem:$0x1DD90] =	vst v28;
	v48 =	vand.u32 $0x3FF, v47;
	v55 =	vand.u32 $0x3FF, v53;
	v61 =	vadd.s32 v59, v60  }
0xd0: {  	[tilespmem:$0x1DE00] =	vst v33;
	v62 =	vshrl.u32 v52, $0x7;
	v8 =	vor.u32 $0x9C400, v8;
	v11 =	vor.u32 $0x9C400, v11  }
0xd1: {  	v14 =	vor.u32 $0x9C400, v14;
	v17 =	vor.u32 $0x9C400, v17;
	[tilespmem:$0x1DC10] =	vst v6;
	v6 =	vadd.s32 v51, v54  }
0xd2: {  	[tilespmem:$0x1DE10] =	vst v42;
	v56 =	vor.u32 $0x9C400, v55;
	v3 =	vsel vm0, v3, v8;
	vm0 =	vmand vm14, vm15  }
0xd3: {  	[tilespmem:$0x1DE80] =	vst v49;
	v8 =	vshrl.u32 v19, $0x7;
	vm14 =	vge.u32 v59, v0;
	vm15 =	vlt.u32 v59, v1  }
0xd4: {  	[tilespmem:$0x1DE90] =	vst v58;
	v9 =	vsel vm0, v9, v11;
	vm0 =	vmand vm4, vm5;
	v8 =	vand.u32 $0x7, v8  }
0xd5: {  	v11 =	vshrl.u32 v24, $0x7;
	[tilespmem:$0x1DB80] =	vst v3;
	v3 =	vshll.u32 v33, $0x6;
	v12 =	vsel vm0, v12, v14  }
0xd6: {  	[tilespmem:$0x1DC00] =	vst v5;
	v8 =	vor.u32 v26, v8;
	vm0 =	vmand vm6, vm7;
	v11 =	vand.u32 $0x7, v11  }
0xd7: {  	v37 =	vadd.s32 v34, v3;
	[tilespmem:$0x1DB90] =	vst v9;
	v40 =	vadd.s32 v3, v39;
	v3 =	vor.u32 v3, v4  }
0xd8: {  	v4 =	vand.u32 $0x3FF, v61;
	v8 =	vor.u32 $0x38, v8;
	v13 =	vsel vm0, v13, v17;
	[tilespmem:$0x1DBA0] =	vst v12  }
0xd9: {  	v11 =	vor.u32 v30, v11;
	vm0 =	vmand vm8, vm9;
	v3 =	vor.u32 $0x38, v3;
	[tilespmem:$0x1DC20] =	vst v8  }
0xda: {  	v4 =	vor.u32 $0x9C400, v4;
	v36 =	vor.u32 $0x38, v11;
	v11 =	vand.u32 $0x3FF, v37;
	[tilespmem:$0x1DBB0] =	vst v13  }
0xdb: {  	v8 =	vor.u32 $0x9C400, v48;
	[tilespmem:$0x1DC40] =	vst v3;
	v3 =	vshrl.u32 v43, $0x7;
	v11 =	vor.u32 $0x9C400, v11  }
0xdc: {  	[tilespmem:$0x1DC30] =	vst v36;
	v3 =	vand.u32 $0x7, v3;
	v41 =	vsel vm0, v40, v11;
	vm0 =	vmand vm10, vm11  }
0xdd: {  	v11 =	vand.u32 $0x7, v45;
	v3 =	vor.u32 v51, v3;
	v7 =	vsel vm0, v7, v8;
	[tilespmem:$0x1DBC0] =	vst v41  }
0xde: {  	v11 =	vor.u32 v46, v11;
	vm0 =	vmand vm12, vm13;
	v3 =	vor.u32 $0x38, v3;
	[tilespmem:$0x1DBD0] =	vst v7  }
0xdf: {  	v6 =	vsel vm0, v6, v56;
	v57 =	vor.u32 $0x38, v11;
	v7 =	vsub.s32 v59, v0;
	[tilespmem:$0x1DC60] =	vst v3  }
0xe0: {  	vm0 =	vmand vm14, vm15;
	v3 =	vand.u32 $0x7, v62;
	[tilespmem:$0x1DC50] =	vst v57;
	v63 =	vadd.s32 v60, v7  }
0xe1: {  	[tilespmem:$0x1DBE0] =	vst v6;
	v3 =	vor.u32 v60, v3;
	v4 =	vsel vm0, v63, v4  }
0xe2: {  	v3 =	vor.u32 $0x38, v3;
	[tilespmem:$0x1DBF0] =	vst v4  }
0xe3: {  	p2 =	slt.u32 s4, $0x65;
	p3 =	sgt.u32 s20, $0x31;
	[tilespmem:$0x1DC70] =	vst v3  }
0xe4: {  	[spmem:s3] =	stream.indirect.scatter.add.f32 [tilespmem:s26], [sflag:$0x4], $0x1, s28, s24, $0xb8;
	[tilespmem:$0x1FF00] =	vst v63  }
0xe5: {  	s6 =	simm.s32 @p0 $0x1DC00;
	p2 =	por @!p1 p3, p3  }
0xe6: {  	[spmem:s3] =	stream.indirect.scatter.add.f32 @p0 [tilespmem:s31], [sflag:$0x4], $0x1, s6, s30, $0xb8;
	[tilespmem:$0x1FF00] =	vst v63  }
0xe7: {  	s7 =	simm.s32 @p2 $0x1D900;
	s9 =	simm.s32 @p2 $0x1DF00;
	s6 =	simm.s32 @p2 $0x20  }
0xe8: {  	[tilespmem:s9], [sflag:$0x2] =	stream.indirect.gather @p2 [hbm4b:s1+s6], $0x80, s7, s6, $0xb8;
	[tilespmem:$0x1FF00] =	vst v63  }
0xe9: {  	s10 =	simm.s32 @p2 $0x1EF00;
	s7 =	simm.s32 @p2 $0x1D920  }
0xea: {  	[tilespmem:s10], [sflag:$0x2] =	stream.indirect.gather @p2 [hbm4b:s1+s6], $0x80, s7, s6, $0xb8;
	[tilespmem:$0x1FF00] =	vst v63  }
0xeb: {  	s7 =	simm.s32 @p2 $0x2  }
0xec: {  	_ =	swait.ge @p2 [sflag:s7], $0x1000  }
0xed: {  	[sflag:s7] =	ssyncset.done @p2 $0x0  }
0xee: {  	s11 =	simm.s32 @p2 $0x1DD00;
	[sflag:s7] =	ssyncadd.s32 @p2 $0xFFFFF000  }
0xef: {  	[spmem:s2] =	stream.indirect.scatter.add.f32 @p2 [tilespmem:s9], [sflag:$0x3], $0x80, s11, s6, $0xb8;
	[tilespmem:$0x1FF00] =	vst v63  }
0xf0: {  	_ =	swait.ge @p2 [sflag:s7], $0x1000  }
0xf1: {  	[sflag:s7] =	ssyncset.done @p2 $0x0  }
0xf2: {  	s11 =	simm.s32 @p2 $0x1DD80;
	[sflag:s7] =	ssyncadd.s32 @p2 $0xFFFFF000  }
0xf3: {  	[spmem:s2] =	stream.indirect.scatter.add.f32 @p2 [tilespmem:s10], [sflag:$0x3], $0x80, s11, s6, $0xb8;
	[tilespmem:$0x1FF00] =	vst v63  }
0xf4: {  	s11 =	simm.s32 @p2 $0x3  }
0xf5: {  	_ =	swait.ge @p2 [sflag:s11], $0x1000  }
0xf6: {  	[sflag:s11] =	ssyncset.done @p2 $0x0  }
0xf7: {  	s12 =	simm.s32 @p2 $0x1D940;
	[sflag:s11] =	ssyncadd.s32 @p2 $0xFFFFF000  }
0xf8: {  	[tilespmem:s9], [sflag:$0x2] =	stream.indirect.gather @p2 [hbm4b:s1+s6], $0x80, s12, s6, $0xb8;
	[tilespmem:$0x1FF00] =	vst v63  }
0xf9: {  	_ =	swait.ge @p2 [sflag:s7], $0x1000  }
0xfa: {  	[sflag:s7] =	ssyncset.done @p2 $0x0  }
0xfb: {  	s12 =	simm.s32 @p2 $0x1DE00;
	[sflag:s7] =	ssyncadd.s32 @p2 $0xFFFFF000  }
0xfc: {  	[spmem:s2] =	stream.indirect.scatter.add.f32 @p2 [tilespmem:s9], [sflag:$0x3], $0x80, s12, s6, $0xb8;
	[tilespmem:$0x1FF00] =	vst v63  }
0xfd: {  	_ =	swait.ge @p2 [sflag:s11], $0x1000  }
0xfe: {  	[sflag:s11] =	ssyncset.done @p2 $0x0  }
0xff: {  	s9 =	simm.s32 @p2 $0x1D960;
	[sflag:s11] =	ssyncadd.s32 @p2 $0xFFFFF000  }
0x100: {  	[tilespmem:s10], [sflag:$0x2] =	stream.indirect.gather @p2 [hbm4b:s1+s6], $0x80, s9, s6, $0xb8;
	[tilespmem:$0x1FF00] =	vst v63  }
0x101: {  	_ =	swait.ge @p2 [sflag:s7], $0x1000  }
0x102: {  	[sflag:s7] =	ssyncset.done @p2 $0x0  }
0x103: {  	s19 =	sadd.s32 $0x20, s19;
	[sflag:s7] =	ssyncadd.s32 @p2 $0xFFFFF000;
	s7 =	simm.s32 @p2 $0x1DE80  }
0x104: {  	[spmem:s2] =	stream.indirect.scatter.add.f32 @p2 [tilespmem:s10], [sflag:$0x3], $0x80, s7, s6, $0xb8;
	[tilespmem:$0x1FF00] =	vst v63  }
0x105: {  	p3 =	sne.s32 s19, $0x9E0;
	_ =	swait.ge @p2 [sflag:s11], $0x1000  }
.Ltmp0:
0x106: {  	[sflag:s11] =	ssyncset.done @p2 $0x0;
	(pc) =	sbr.rel @p3 .LBB2_2-.Ltmp0, $4  }
0x107: {  	[sflag:s11] =	ssyncadd.s32 @p2 $0xFFFFF000  }
0x108: {  	_ =	swait.ge @p2 [sflag:s11], $0x1000  }
0x109: {  	[sflag:s11] =	ssyncset.done @p2 $0x0  }
0x10a: {  	s4 =	sadd.s32 $0x2, s4;
	s20 =	sadd.s32 $0x1, s20;
	[sflag:s11] =	ssyncadd.s32 @p2 $0xFFFFF000  }
0x10b: {  	_ =	swait.ge [sflag:s29], $0x80  }
0x10c: {  	[sflag:s29] =	ssyncset.done $0x0  }
0x10d: {  	[sflag:s29] =	ssyncadd.s32 $0xFFFFFF80  }
0x10e: {  	_ =	swait.ge [sflag:s29], $0x80  }
0x10f: {  	[sflag:s29] =	ssyncset.done $0x0  }
0x110: {  	s4 =	simm.s32 @!p1 $0x4;
	[sflag:s29] =	ssyncadd.s32 $0xFFFFFF80  }
0x111: {  	_ =	swait.ge @!p1 [sflag:s4], $0x80  }
0x112: {  	[sflag:s4] =	ssyncset.done @!p1 $0x0  }
0x113: {  	[sflag:s4] =	ssyncadd.s32 @!p1 $0xFFFFFF80  }
0x114: {  	_ =	swait.ge @!p1 [sflag:s4], $0x80  }
0x115: {  	[sflag:s4] =	ssyncset.done @!p1 $0x0  }
0x116: {  	[sflag:s4] =	ssyncadd.s32 @!p1 $0xFFFFFF80  }
0x117: {  	[bflag:$0x0] =	sbarrier.arrive $0xFFFF  }
0x118: {  	s30 =	rddreg [dreg:$0x9]  }
0x119: {  	[hbm:s30], [sflag:s8] =	dma.local [spmem:s16], $0x2780  }
0x11a: {  	s6 =	simm.s32 $0x20;
	s0 =	sadd.s32 $0x1, s0;
	_ =	swait.ge [sflag:s17], $0x2780  }
0x11b: {  	s7 =	simm.s32 $0x10;
	p2 =	sne.s32 s0, s13;
	[sflag:s17] =	ssyncset.done $0x0  }
.Ltmp1:
0x11c: {  	s31 =	rddreg [dreg:$0xa];
	[sflag:s17] =	ssyncadd.s32 $0xFFFFD880;
	(pc) =	sbr.rel @p2 .LBB2_1-.Ltmp1, $4  }
0x11d: {  	[hbm:s31@s6], [sflag:s8] =	dma.strided [spmem:s18@s7], $0x1390, s21, $0x10   }
0x11e: {  	_ =	swait.ge [sflag:s17], $0x1390  }
0x11f: {  	[sflag:s17] =	ssyncset.done $0x0  }
0x120: {  	[sflag:s17] =	ssyncadd.s32 $0xFFFFEC70  }
0x121: {  	_ =	sfence.sel $0x180000  }
0x122: {  	[bflag:$0x0] =	sbarrier.arrive $0xFFFF  }
0x123: {  	_ =	strace $0x90000047  }
0x124: {  	s0 =	stileid.u32;
	[bflag:$0x2] =	sbarrier.arrive $0xFFFF  }
0x125: {  	p0 =	sne.s32 s0, $0x0;
	s0 =	rddreg [dreg:$0x4]  }
0x126: {  	s0 =	sadd.s32 @!p0 $0x100000, s0  }
0x127: {  	[sflag:s0] =	ssyncadd.tile.s32 @!p0 $0x1;
	_ =	shalt  }
.Lfunc_end2:
_tile_overlayer_lowered:
.L_overlay_start_2:
0x128: {  	(tag) =	ssettag $0x2  }
0x129: {  	s0 =	rddreg [dreg:$0x0];
	s2 =	stileid.u32  }
0x12a: {  	s1 =	rddreg [dreg:$0x1];
	p0 =	sne.s32 s2, $0x0  }
0x12b: {  	s3 =	rddreg [dreg:$0x2];
	[bflag:$0x3] =	sbarrier.arrive $0xFFFF;
	s2 =	simm.s32 @!p0 $0x1C05  }
0x12c: {  	[timem:s3], [sflag:s2] =	dma.local @!p0 [hbm:s0], s1  }
0x12d: {  	s0 =	simm.s32 @!p0 $0x5  }
0x12e: {  	_ =	swait.ge @!p0 [sflag:s0], s1  }
0x12f: {  	s1 =	ssub.s32 @!p0 $0x0, s1;
	[sflag:s0] =	ssyncset.done @!p0 $0x0  }
0x130: {  	[sflag:s0] =	ssyncadd.s32 @!p0 s1  }
0x131: {  	[bflag:$0x3] =	sbarrier.arrive $0xFFFF  }
0x132: {  	_ =	shalt  }

</sc_bundles>
